<compile_context>
chip_gen: v7x
topology: tpu7x:2x2x1
jax: 0.10.2.dev20260603
libtpu: 0.0.44.dev20260713+nightly
codegen_flags: <defaults>
</compile_context>

<pallas_src>
import functools

import jax
import jax.numpy as jnp
from jax import lax
from jax.experimental import pallas as pl
from jax.experimental.pallas import tpu as pltpu
from jax.experimental.pallas import tpu_sc as plsc

_NC = 2
_NS = 16
_NW = _NC * _NS
_L = 16

_CHUNK = 2048


def _sc_sparse_linear(nnz_pad, batch, in_features, out_features):
    b_per_w = batch // _NW
    n_chunks = nnz_pad // _CHUNK
    assert n_chunks % 2 == 0
    groups = _CHUNK // _L

    mesh = plsc.VectorSubcoreMesh(
        core_axis_name="c", subcore_axis_name="s", num_cores=_NC,
        num_subcores=_NS)

    @functools.partial(
        pl.kernel,
        mesh=mesh,
        out_type=jax.ShapeDtypeStruct((batch * out_features,), jnp.float32),
        scratch_types=[
            pltpu.VMEM((b_per_w * in_features,), jnp.float32),
            pltpu.VMEM((b_per_w * out_features,), jnp.float32),
            pltpu.VMEM((2 * _CHUNK,), jnp.int32),
            pltpu.VMEM((2 * _CHUNK,), jnp.int32),
            pltpu.SemaphoreType.DMA,
            pltpu.SemaphoreType.DMA,
        ],
        compiler_params=pltpu.CompilerParams(needs_layout_passes=False),
    )
    def kern(x_hbm, coo_hbm, bias_hbm, out_hbm, x_v, o_v, s0_v, s1_v,
             sem0, sem1):
        wid = lax.axis_index("s") * _NC + lax.axis_index("c")
        xw = b_per_w * in_features
        ow = b_per_w * out_features
        pltpu.sync_copy(x_hbm.at[pl.ds(wid * xw, xw)], x_v)
        for j in range(b_per_w):
            pltpu.sync_copy(bias_hbm,
                            o_v.at[pl.ds(j * out_features, out_features)])

        def start(c, buf, sem):
            pltpu.async_copy(coo_hbm.at[pl.ds(c * 2 * _CHUNK, 2 * _CHUNK)],
                             buf, sem)

        def drain(buf, sem):
            pltpu.make_async_copy(
                coo_hbm.at[pl.ds(0, 2 * _CHUNK)], buf, sem).wait()

        def process(buf):
            @plsc.parallel_loop(0, groups, 1, unroll=4)
            def g_body(g):
                vp = buf[pl.ds(g * _L, _L)]
                vc = vp & jnp.int32(0xFFFF)
                vr = lax.shift_right_logical(vp, jnp.int32(16))
                vv = plsc.bitcast(buf[pl.ds(_CHUNK + g * _L, _L)],
                                  jnp.float32)
                xs = [plsc.load_gather(
                          x_v.at[pl.ds(j * in_features, in_features)], [vc])
                      for j in range(b_per_w)]
                ps = [xs[j] * vv for j in range(b_per_w)]
                for j in range(b_per_w):
                    plsc.addupdate_scatter(
                        o_v.at[pl.ds(j * out_features, out_features)],
                        [vr], ps[j])

        start(0, s0_v, sem0)

        def pair_body(i, carry):
            drain(s0_v, sem0)
            start(2 * i + 1, s1_v, sem1)
            process(s0_v)
            drain(s1_v, sem1)
            start(2 * i + 2, s0_v, sem0)
            process(s1_v)
            return carry

        lax.fori_loop(0, n_chunks // 2, pair_body, 0)
        drain(s0_v, sem0)

        pltpu.sync_copy(o_v, out_hbm.at[pl.ds(wid * ow, ow)])

    return kern


def kernel(x, row_idx, col_idx, values, bias):
    input_shape = x.shape
    in_features = x.shape[-1]
    x_flat = x.reshape(-1, in_features)
    batch = x_flat.shape[0]
    out_features = bias.shape[0]
    nnz = values.shape[0]

    n_chunks = ((nnz + _CHUNK - 1) // _CHUNK + 1) // 2 * 2
    nnz_pad = n_chunks * _CHUNK
    pad = nnz_pad - nnz
    zpad = jnp.zeros((pad,), jnp.int32)
    packed = jnp.concatenate([col_idx | (row_idx << 16), zpad])
    val_p = jnp.concatenate(
        [lax.bitcast_convert_type(values, jnp.int32), zpad])
    coo = jnp.stack([packed.reshape(n_chunks, _CHUNK),
                     val_p.reshape(n_chunks, _CHUNK)], axis=1).reshape(-1)
    coo = jnp.concatenate([coo, jnp.zeros((2 * _CHUNK,), jnp.int32)])

    kern = _sc_sparse_linear(nnz_pad, batch, in_features, out_features)
    out = kern(x_flat.reshape(-1), coo, bias)
    return out.reshape(input_shape[:-1] + (out_features,))

# --- scband reference (transcript-rebuilt; emitter-appended) ---
"""Pipeline reference for scband-sparse-linear-62380105007472 (READ-ONLY COPY).

The authoritative reference and input builder live on the scoring server;
editing this copy changes nothing except your own understanding.
"""

import jax, jax.numpy as jnp
import numpy as np


def setup_inputs(seed: int = 0) -> dict:
    key = jax.random.key(seed)
    k1, k2, k3, k4, k5 = jax.random.split(key, 5)
    in_features = 4096
    out_features = 4096
    nnz = 167772
    batch = 256
    x = jax.random.normal(k1, (batch, in_features), dtype=jnp.float32)
    row_idx = jax.random.randint(k2, (nnz,), 0, out_features, dtype=jnp.int32)
    col_idx = jax.random.randint(k3, (nnz,), 0, in_features, dtype=jnp.int32)
    values = jax.random.normal(k4, (nnz,), dtype=jnp.float32) * 0.02
    bias = jax.random.normal(k5, (out_features,), dtype=jnp.float32) * 0.02
    return {"x": x, "row_idx": row_idx, "col_idx": col_idx, "values": values, "bias": bias}


def reference(x, row_idx, col_idx, values, bias):
    # Faithful translation of SparseLinear.forward:
    # gather columns of x by col_idx, multiply by COO values,
    # scatter-add into output rows given by row_idx, add bias.
    input_shape = x.shape
    in_features = x.shape[-1]
    x_flat = x.reshape(-1, in_features)
    batch_size = x_flat.shape[0]
    out_features = bias.shape[0]
    # x_gathered: [batch, nnz]
    x_gathered = jnp.take(x_flat, col_idx, axis=1)
    weighted = x_gathered * values[None, :]
    # scatter_add along dim 1 with duplicate indices accumulated
    output = jnp.zeros((batch_size, out_features), dtype=x.dtype).at[:, row_idx].add(weighted)
    output = output + bias
    output_shape = input_shape[:-1] + (out_features,)
    return output.reshape(output_shape)

if __name__ == "__main__":
    import jax
    _d = setup_inputs()
    print(jax.jit(kernel)(*tuple(_d.values())))

</pallas_src>

<mosaic_0001>
#map = affine_map<(d0, d1) -> (0)>
module attributes {stable_mosaic.version = 14 : i64} {
  func.func @kern(%arg0: i32, %arg1: i32, %arg2: memref<1048576xf32, #tpu.memory_space<hbm>>, %arg3: memref<339968xi32, #tpu.memory_space<hbm>>, %arg4: memref<4096xf32, #tpu.memory_space<hbm>>, %arg5: memref<1048576xf32, #tpu.memory_space<hbm>>, %arg6: memref<32768xf32, #tpu.memory_space<vmem>>, %arg7: memref<32768xf32, #tpu.memory_space<vmem>>, %arg8: memref<4096xi32, #tpu.memory_space<vmem>>, %arg9: memref<4096xi32, #tpu.memory_space<vmem>>, %arg10: memref<!tpu.dma_semaphore, #tpu.memory_space<semaphore_mem>>, %arg11: memref<!tpu.dma_semaphore, #tpu.memory_space<semaphore_mem>>) attributes {dimension_semantics = [#tpu.dimension_semantics<core_parallel>, #tpu.dimension_semantics<subcore_parallel>], iteration_bounds = array<i64: 2, 16>, scalar_prefetch = 0 : i64, scratch_operands = 6 : i64, tpu.core_type = #tpu.core_type<sc_vector_subcore>, window_params = [{transform_indices = #map}, {transform_indices = #map}, {transform_indices = #map}, {transform_indices = #map}]} {
    %mul3A = arith.constant 2 : i32
    %mul3A_0 = arith.muli %arg1, %mul3A : i32
    %add3A = arith.addi %mul3A_0, %arg0 : i32
    %mul3A_1 = arith.constant 32768 : i32
    %mul3A_2 = arith.muli %add3A, %mul3A_1 : i32
    "tpu.region"() ({
      %run_scoped3A = tpu.sem_alloc : memref<!tpu.dma_semaphore, #tpu.memory_space<semaphore_mem>>
      %dma_start3A_16 = tpu.memref_slice %arg2[%mul3A_2] : memref<1048576xf32, #tpu.memory_space<hbm>> -> memref<32768xf32, #tpu.memory_space<hbm>>
      %dma_start3A_17 = tpu.memref_slice %arg2[%mul3A_2] : memref<1048576xf32, #tpu.memory_space<hbm>> -> memref<32768xf32, #tpu.memory_space<hbm>>
      tpu.enqueue_dma source(%dma_start3A_17 : memref<32768xf32, #tpu.memory_space<hbm>>) target(%arg6 : memref<32768xf32, #tpu.memory_space<vmem>>) target_semaphore(%run_scoped3A : memref<!tpu.dma_semaphore, #tpu.memory_space<semaphore_mem>>)
      %dma_wait3A_18 = tpu.memref_slice %arg2[%mul3A_2] : memref<1048576xf32, #tpu.memory_space<hbm>> -> memref<32768xf32, #tpu.memory_space<hbm>>
      %dma_wait3A_19 = tpu.memref_slice %arg2[%mul3A_2] : memref<1048576xf32, #tpu.memory_space<hbm>> -> memref<32768xf32, #tpu.memory_space<hbm>>
      tpu.wait_dma2 semaphore(%run_scoped3A : memref<!tpu.dma_semaphore, #tpu.memory_space<semaphore_mem>>) src(%dma_wait3A_19 : memref<32768xf32, #tpu.memory_space<hbm>>) dst(%arg6 : memref<32768xf32, #tpu.memory_space<vmem>>)
      tpu.yield
    }) : () -> ()
    "tpu.region"() ({
      %run_scoped3A = tpu.sem_alloc : memref<!tpu.dma_semaphore, #tpu.memory_space<semaphore_mem>>
      %dma_start3A_16 = arith.constant 0 : i32
      %dma_start3A_17 = tpu.memref_slice %arg7[%dma_start3A_16] : memref<32768xf32, #tpu.memory_space<vmem>> -> memref<4096xf32, #tpu.memory_space<vmem>>
      %dma_start3A_18 = arith.constant 0 : i32
      %dma_start3A_19 = tpu.memref_slice %arg7[%dma_start3A_18] : memref<32768xf32, #tpu.memory_space<vmem>> -> memref<4096xf32, #tpu.memory_space<vmem>>
      tpu.enqueue_dma source(%arg4 : memref<4096xf32, #tpu.memory_space<hbm>>) target(%dma_start3A_19 : memref<4096xf32, #tpu.memory_space<vmem>>) target_semaphore(%run_scoped3A : memref<!tpu.dma_semaphore, #tpu.memory_space<semaphore_mem>>)
      %dma_wait3A_20 = arith.constant 0 : i32
      %dma_wait3A_21 = tpu.memref_slice %arg7[%dma_wait3A_20] : memref<32768xf32, #tpu.memory_space<vmem>> -> memref<4096xf32, #tpu.memory_space<vmem>>
      %dma_wait3A_22 = arith.constant 0 : i32
      %dma_wait3A_23 = tpu.memref_slice %arg7[%dma_wait3A_22] : memref<32768xf32, #tpu.memory_space<vmem>> -> memref<4096xf32, #tpu.memory_space<vmem>>
      tpu.wait_dma2 semaphore(%run_scoped3A : memref<!tpu.dma_semaphore, #tpu.memory_space<semaphore_mem>>) src(%arg4 : memref<4096xf32, #tpu.memory_space<hbm>>) dst(%dma_wait3A_23 : memref<4096xf32, #tpu.memory_space<vmem>>)
      tpu.yield
    }) : () -> ()
    "tpu.region"() ({
      %run_scoped3A = tpu.sem_alloc : memref<!tpu.dma_semaphore, #tpu.memory_space<semaphore_mem>>
      %dma_start3A_16 = arith.constant 4096 : i32
      %dma_start3A_17 = tpu.memref_slice %arg7[%dma_start3A_16] : memref<32768xf32, #tpu.memory_space<vmem>> -> memref<4096xf32, #tpu.memory_space<vmem>>
      %dma_start3A_18 = arith.constant 4096 : i32
      %dma_start3A_19 = tpu.memref_slice %arg7[%dma_start3A_18] : memref<32768xf32, #tpu.memory_space<vmem>> -> memref<4096xf32, #tpu.memory_space<vmem>>
      tpu.enqueue_dma source(%arg4 : memref<4096xf32, #tpu.memory_space<hbm>>) target(%dma_start3A_19 : memref<4096xf32, #tpu.memory_space<vmem>>) target_semaphore(%run_scoped3A : memref<!tpu.dma_semaphore, #tpu.memory_space<semaphore_mem>>)
      %dma_wait3A_20 = arith.constant 4096 : i32
      %dma_wait3A_21 = tpu.memref_slice %arg7[%dma_wait3A_20] : memref<32768xf32, #tpu.memory_space<vmem>> -> memref<4096xf32, #tpu.memory_space<vmem>>
      %dma_wait3A_22 = arith.constant 4096 : i32
      %dma_wait3A_23 = tpu.memref_slice %arg7[%dma_wait3A_22] : memref<32768xf32, #tpu.memory_space<vmem>> -> memref<4096xf32, #tpu.memory_space<vmem>>
      tpu.wait_dma2 semaphore(%run_scoped3A : memref<!tpu.dma_semaphore, #tpu.memory_space<semaphore_mem>>) src(%arg4 : memref<4096xf32, #tpu.memory_space<hbm>>) dst(%dma_wait3A_23 : memref<4096xf32, #tpu.memory_space<vmem>>)
      tpu.yield
    }) : () -> ()
    "tpu.region"() ({
      %run_scoped3A = tpu.sem_alloc : memref<!tpu.dma_semaphore, #tpu.memory_space<semaphore_mem>>
      %dma_start3A_16 = arith.constant 8192 : i32
      %dma_start3A_17 = tpu.memref_slice %arg7[%dma_start3A_16] : memref<32768xf32, #tpu.memory_space<vmem>> -> memref<4096xf32, #tpu.memory_space<vmem>>
      %dma_start3A_18 = arith.constant 8192 : i32
      %dma_start3A_19 = tpu.memref_slice %arg7[%dma_start3A_18] : memref<32768xf32, #tpu.memory_space<vmem>> -> memref<4096xf32, #tpu.memory_space<vmem>>
      tpu.enqueue_dma source(%arg4 : memref<4096xf32, #tpu.memory_space<hbm>>) target(%dma_start3A_19 : memref<4096xf32, #tpu.memory_space<vmem>>) target_semaphore(%run_scoped3A : memref<!tpu.dma_semaphore, #tpu.memory_space<semaphore_mem>>)
      %dma_wait3A_20 = arith.constant 8192 : i32
      %dma_wait3A_21 = tpu.memref_slice %arg7[%dma_wait3A_20] : memref<32768xf32, #tpu.memory_space<vmem>> -> memref<4096xf32, #tpu.memory_space<vmem>>
      %dma_wait3A_22 = arith.constant 8192 : i32
      %dma_wait3A_23 = tpu.memref_slice %arg7[%dma_wait3A_22] : memref<32768xf32, #tpu.memory_space<vmem>> -> memref<4096xf32, #tpu.memory_space<vmem>>
      tpu.wait_dma2 semaphore(%run_scoped3A : memref<!tpu.dma_semaphore, #tpu.memory_space<semaphore_mem>>) src(%arg4 : memref<4096xf32, #tpu.memory_space<hbm>>) dst(%dma_wait3A_23 : memref<4096xf32, #tpu.memory_space<vmem>>)
      tpu.yield
    }) : () -> ()
    "tpu.region"() ({
      %run_scoped3A = tpu.sem_alloc : memref<!tpu.dma_semaphore, #tpu.memory_space<semaphore_mem>>
      %dma_start3A_16 = arith.constant 12288 : i32
      %dma_start3A_17 = tpu.memref_slice %arg7[%dma_start3A_16] : memref<32768xf32, #tpu.memory_space<vmem>> -> memref<4096xf32, #tpu.memory_space<vmem>>
      %dma_start3A_18 = arith.constant 12288 : i32
      %dma_start3A_19 = tpu.memref_slice %arg7[%dma_start3A_18] : memref<32768xf32, #tpu.memory_space<vmem>> -> memref<4096xf32, #tpu.memory_space<vmem>>
      tpu.enqueue_dma source(%arg4 : memref<4096xf32, #tpu.memory_space<hbm>>) target(%dma_start3A_19 : memref<4096xf32, #tpu.memory_space<vmem>>) target_semaphore(%run_scoped3A : memref<!tpu.dma_semaphore, #tpu.memory_space<semaphore_mem>>)
      %dma_wait3A_20 = arith.constant 12288 : i32
      %dma_wait3A_21 = tpu.memref_slice %arg7[%dma_wait3A_20] : memref<32768xf32, #tpu.memory_space<vmem>> -> memref<4096xf32, #tpu.memory_space<vmem>>
      %dma_wait3A_22 = arith.constant 12288 : i32
      %dma_wait3A_23 = tpu.memref_slice %arg7[%dma_wait3A_22] : memref<32768xf32, #tpu.memory_space<vmem>> -> memref<4096xf32, #tpu.memory_space<vmem>>
      tpu.wait_dma2 semaphore(%run_scoped3A : memref<!tpu.dma_semaphore, #tpu.memory_space<semaphore_mem>>) src(%arg4 : memref<4096xf32, #tpu.memory_space<hbm>>) dst(%dma_wait3A_23 : memref<4096xf32, #tpu.memory_space<vmem>>)
      tpu.yield
    }) : () -> ()
    "tpu.region"() ({
      %run_scoped3A = tpu.sem_alloc : memref<!tpu.dma_semaphore, #tpu.memory_space<semaphore_mem>>
      %dma_start3A_16 = arith.constant 16384 : i32
      %dma_start3A_17 = tpu.memref_slice %arg7[%dma_start3A_16] : memref<32768xf32, #tpu.memory_space<vmem>> -> memref<4096xf32, #tpu.memory_space<vmem>>
      %dma_start3A_18 = arith.constant 16384 : i32
      %dma_start3A_19 = tpu.memref_slice %arg7[%dma_start3A_18] : memref<32768xf32, #tpu.memory_space<vmem>> -> memref<4096xf32, #tpu.memory_space<vmem>>
      tpu.enqueue_dma source(%arg4 : memref<4096xf32, #tpu.memory_space<hbm>>) target(%dma_start3A_19 : memref<4096xf32, #tpu.memory_space<vmem>>) target_semaphore(%run_scoped3A : memref<!tpu.dma_semaphore, #tpu.memory_space<semaphore_mem>>)
      %dma_wait3A_20 = arith.constant 16384 : i32
      %dma_wait3A_21 = tpu.memref_slice %arg7[%dma_wait3A_20] : memref<32768xf32, #tpu.memory_space<vmem>> -> memref<4096xf32, #tpu.memory_space<vmem>>
      %dma_wait3A_22 = arith.constant 16384 : i32
      %dma_wait3A_23 = tpu.memref_slice %arg7[%dma_wait3A_22] : memref<32768xf32, #tpu.memory_space<vmem>> -> memref<4096xf32, #tpu.memory_space<vmem>>
      tpu.wait_dma2 semaphore(%run_scoped3A : memref<!tpu.dma_semaphore, #tpu.memory_space<semaphore_mem>>) src(%arg4 : memref<4096xf32, #tpu.memory_space<hbm>>) dst(%dma_wait3A_23 : memref<4096xf32, #tpu.memory_space<vmem>>)
      tpu.yield
    }) : () -> ()
    "tpu.region"() ({
      %run_scoped3A = tpu.sem_alloc : memref<!tpu.dma_semaphore, #tpu.memory_space<semaphore_mem>>
      %dma_start3A_16 = arith.constant 20480 : i32
      %dma_start3A_17 = tpu.memref_slice %arg7[%dma_start3A_16] : memref<32768xf32, #tpu.memory_space<vmem>> -> memref<4096xf32, #tpu.memory_space<vmem>>
      %dma_start3A_18 = arith.constant 20480 : i32
      %dma_start3A_19 = tpu.memref_slice %arg7[%dma_start3A_18] : memref<32768xf32, #tpu.memory_space<vmem>> -> memref<4096xf32, #tpu.memory_space<vmem>>
      tpu.enqueue_dma source(%arg4 : memref<4096xf32, #tpu.memory_space<hbm>>) target(%dma_start3A_19 : memref<4096xf32, #tpu.memory_space<vmem>>) target_semaphore(%run_scoped3A : memref<!tpu.dma_semaphore, #tpu.memory_space<semaphore_mem>>)
      %dma_wait3A_20 = arith.constant 20480 : i32
      %dma_wait3A_21 = tpu.memref_slice %arg7[%dma_wait3A_20] : memref<32768xf32, #tpu.memory_space<vmem>> -> memref<4096xf32, #tpu.memory_space<vmem>>
      %dma_wait3A_22 = arith.constant 20480 : i32
      %dma_wait3A_23 = tpu.memref_slice %arg7[%dma_wait3A_22] : memref<32768xf32, #tpu.memory_space<vmem>> -> memref<4096xf32, #tpu.memory_space<vmem>>
      tpu.wait_dma2 semaphore(%run_scoped3A : memref<!tpu.dma_semaphore, #tpu.memory_space<semaphore_mem>>) src(%arg4 : memref<4096xf32, #tpu.memory_space<hbm>>) dst(%dma_wait3A_23 : memref<4096xf32, #tpu.memory_space<vmem>>)
      tpu.yield
    }) : () -> ()
    "tpu.region"() ({
      %run_scoped3A = tpu.sem_alloc : memref<!tpu.dma_semaphore, #tpu.memory_space<semaphore_mem>>
      %dma_start3A_16 = arith.constant 24576 : i32
      %dma_start3A_17 = tpu.memref_slice %arg7[%dma_start3A_16] : memref<32768xf32, #tpu.memory_space<vmem>> -> memref<4096xf32, #tpu.memory_space<vmem>>
      %dma_start3A_18 = arith.constant 24576 : i32
      %dma_start3A_19 = tpu.memref_slice %arg7[%dma_start3A_18] : memref<32768xf32, #tpu.memory_space<vmem>> -> memref<4096xf32, #tpu.memory_space<vmem>>
      tpu.enqueue_dma source(%arg4 : memref<4096xf32, #tpu.memory_space<hbm>>) target(%dma_start3A_19 : memref<4096xf32, #tpu.memory_space<vmem>>) target_semaphore(%run_scoped3A : memref<!tpu.dma_semaphore, #tpu.memory_space<semaphore_mem>>)
      %dma_wait3A_20 = arith.constant 24576 : i32
      %dma_wait3A_21 = tpu.memref_slice %arg7[%dma_wait3A_20] : memref<32768xf32, #tpu.memory_space<vmem>> -> memref<4096xf32, #tpu.memory_space<vmem>>
      %dma_wait3A_22 = arith.constant 24576 : i32
      %dma_wait3A_23 = tpu.memref_slice %arg7[%dma_wait3A_22] : memref<32768xf32, #tpu.memory_space<vmem>> -> memref<4096xf32, #tpu.memory_space<vmem>>
      tpu.wait_dma2 semaphore(%run_scoped3A : memref<!tpu.dma_semaphore, #tpu.memory_space<semaphore_mem>>) src(%arg4 : memref<4096xf32, #tpu.memory_space<hbm>>) dst(%dma_wait3A_23 : memref<4096xf32, #tpu.memory_space<vmem>>)
      tpu.yield
    }) : () -> ()
    "tpu.region"() ({
      %run_scoped3A = tpu.sem_alloc : memref<!tpu.dma_semaphore, #tpu.memory_space<semaphore_mem>>
      %dma_start3A_16 = arith.constant 28672 : i32
      %dma_start3A_17 = tpu.memref_slice %arg7[%dma_start3A_16] : memref<32768xf32, #tpu.memory_space<vmem>> -> memref<4096xf32, #tpu.memory_space<vmem>>
      %dma_start3A_18 = arith.constant 28672 : i32
      %dma_start3A_19 = tpu.memref_slice %arg7[%dma_start3A_18] : memref<32768xf32, #tpu.memory_space<vmem>> -> memref<4096xf32, #tpu.memory_space<vmem>>
      tpu.enqueue_dma source(%arg4 : memref<4096xf32, #tpu.memory_space<hbm>>) target(%dma_start3A_19 : memref<4096xf32, #tpu.memory_space<vmem>>) target_semaphore(%run_scoped3A : memref<!tpu.dma_semaphore, #tpu.memory_space<semaphore_mem>>)
      %dma_wait3A_20 = arith.constant 28672 : i32
      %dma_wait3A_21 = tpu.memref_slice %arg7[%dma_wait3A_20] : memref<32768xf32, #tpu.memory_space<vmem>> -> memref<4096xf32, #tpu.memory_space<vmem>>
      %dma_wait3A_22 = arith.constant 28672 : i32
      %dma_wait3A_23 = tpu.memref_slice %arg7[%dma_wait3A_22] : memref<32768xf32, #tpu.memory_space<vmem>> -> memref<4096xf32, #tpu.memory_space<vmem>>
      tpu.wait_dma2 semaphore(%run_scoped3A : memref<!tpu.dma_semaphore, #tpu.memory_space<semaphore_mem>>) src(%arg4 : memref<4096xf32, #tpu.memory_space<hbm>>) dst(%dma_wait3A_23 : memref<4096xf32, #tpu.memory_space<vmem>>)
      tpu.yield
    }) : () -> ()
    %dma_start3A = arith.constant 0 : i32
    %dma_start3A_3 = tpu.memref_slice %arg3[%dma_start3A] : memref<339968xi32, #tpu.memory_space<hbm>> -> memref<4096xi32, #tpu.memory_space<hbm>>
    %dma_start3A_4 = arith.constant 0 : i32
    %dma_start3A_5 = tpu.memref_slice %arg3[%dma_start3A_4] : memref<339968xi32, #tpu.memory_space<hbm>> -> memref<4096xi32, #tpu.memory_space<hbm>>
    tpu.enqueue_dma source(%dma_start3A_5 : memref<4096xi32, #tpu.memory_space<hbm>>) target(%arg8 : memref<4096xi32, #tpu.memory_space<vmem>>) target_semaphore(%arg10 : memref<!tpu.dma_semaphore, #tpu.memory_space<semaphore_mem>>)
    %scan3A = arith.constant 0 : i32
    %scan3A_6 = arith.constant 0 : i32
    %scan3A_7 = arith.constant 41 : i32
    %scan3A_8 = arith.addi %scan3A_6, %scan3A_7 : i32
    %scan3A_9 = arith.constant 1 : i32
    scf.for %scan3A_16 = %scan3A_6 to %scan3A_8 step %scan3A_9  : i32 {
      %dma_wait3A_17 = arith.constant 0 : i32
      %dma_wait3A_18 = tpu.memref_slice %arg3[%dma_wait3A_17] : memref<339968xi32, #tpu.memory_space<hbm>> -> memref<4096xi32, #tpu.memory_space<hbm>>
      %dma_wait3A_19 = arith.constant 0 : i32
      %dma_wait3A_20 = tpu.memref_slice %arg3[%dma_wait3A_19] : memref<339968xi32, #tpu.memory_space<hbm>> -> memref<4096xi32, #tpu.memory_space<hbm>>
      tpu.wait_dma2 semaphore(%arg10 : memref<!tpu.dma_semaphore, #tpu.memory_space<semaphore_mem>>) src(%dma_wait3A_20 : memref<4096xi32, #tpu.memory_space<hbm>>) dst(%arg8 : memref<4096xi32, #tpu.memory_space<vmem>>)
      %mul3A_21 = arith.constant 2 : i32
      %mul3A_22 = arith.muli %mul3A_21, %scan3A_16 : i32
      %add3A_23 = arith.constant 1 : i32
      %add3A_24 = arith.addi %mul3A_22, %add3A_23 : i32
      %mul3A_25 = arith.constant 2 : i32
      %mul3A_26 = arith.muli %add3A_24, %mul3A_25 : i32
      %mul3A_27 = arith.constant 2048 : i32
      %mul3A_28 = arith.muli %mul3A_26, %mul3A_27 : i32
      %dma_start3A_29 = tpu.memref_slice %arg3[%mul3A_28] : memref<339968xi32, #tpu.memory_space<hbm>> -> memref<4096xi32, #tpu.memory_space<hbm>>
      %dma_start3A_30 = tpu.memref_slice %arg3[%mul3A_28] : memref<339968xi32, #tpu.memory_space<hbm>> -> memref<4096xi32, #tpu.memory_space<hbm>>
      tpu.enqueue_dma source(%dma_start3A_30 : memref<4096xi32, #tpu.memory_space<hbm>>) target(%arg9 : memref<4096xi32, #tpu.memory_space<vmem>>) target_semaphore(%arg11 : memref<!tpu.dma_semaphore, #tpu.memory_space<semaphore_mem>>)
      %parallel_loop3A = arith.constant 0 : i32
      %parallel_loop3A_31 = arith.constant 128 : i32
      %parallel_loop3A_32 = arith.constant 1 : i32
      scf.for %parallel_loop3A_50 = %parallel_loop3A to %parallel_loop3A_31 step %parallel_loop3A_32  : i32 {
        %parallel_loop3A_51 = arith.constant 16 : i32
        %parallel_loop3A_52 = arith.muli %parallel_loop3A_50, %parallel_loop3A_51 : i32
        %parallel_loop3A_53 = arith.index_cast %parallel_loop3A_52 : i32 to index
        %parallel_loop3A_54 = tpu.vector_load %arg8[%parallel_loop3A_53] {strides = array<i32>} : memref<4096xi32, #tpu.memory_space<vmem>>, vector<16xi32>,
        %parallel_loop3A_55 = arith.constant 65535 : i32
        %parallel_loop3A_56 = vector.broadcast %parallel_loop3A_55 : i32 to vector<16xi32>
        %parallel_loop3A_57 = arith.andi %parallel_loop3A_54, %parallel_loop3A_56 : vector<16xi32>
        %parallel_loop3A_58 = arith.constant 16 : i32
        %parallel_loop3A_59 = vector.broadcast %parallel_loop3A_58 : i32 to vector<16xi32>
        %parallel_loop3A_60 = arith.shrui %parallel_loop3A_54, %parallel_loop3A_59 : vector<16xi32>
        %parallel_loop3A_61 = arith.constant 16 : i32
        %parallel_loop3A_62 = arith.muli %parallel_loop3A_50, %parallel_loop3A_61 : i32
        %parallel_loop3A_63 = arith.constant 2048 : i32
        %parallel_loop3A_64 = arith.addi %parallel_loop3A_63, %parallel_loop3A_62 : i32
        %parallel_loop3A_65 = arith.index_cast %parallel_loop3A_64 : i32 to index
        %parallel_loop3A_66 = tpu.vector_load %arg8[%parallel_loop3A_65] {strides = array<i32>} : memref<4096xi32, #tpu.memory_space<vmem>>, vector<16xi32>,
        %parallel_loop3A_67 = vector.bitcast %parallel_loop3A_66 : vector<16xi32> to vector<16xf32>
        %parallel_loop3A_68 = arith.constant 0 : i32
        %parallel_loop3A_69 = tpu.memref_slice %arg6[%parallel_loop3A_68] : memref<32768xf32, #tpu.memory_space<vmem>> -> memref<4096xf32, #tpu.memory_space<vmem>>
        %parallel_loop3A_70 = tpu.vector_load_idx %parallel_loop3A_69[%parallel_loop3A_57] : memref<4096xf32, #tpu.memory_space<vmem>>[vector<16xi32>], vector<16xf32>,
        %parallel_loop3A_71 = arith.constant 4096 : i32
        %parallel_loop3A_72 = tpu.memref_slice %arg6[%parallel_loop3A_71] : memref<32768xf32, #tpu.memory_space<vmem>> -> memref<4096xf32, #tpu.memory_space<vmem>>
        %parallel_loop3A_73 = tpu.vector_load_idx %parallel_loop3A_72[%parallel_loop3A_57] : memref<4096xf32, #tpu.memory_space<vmem>>[vector<16xi32>], vector<16xf32>,
        %parallel_loop3A_74 = arith.constant 8192 : i32
        %parallel_loop3A_75 = tpu.memref_slice %arg6[%parallel_loop3A_74] : memref<32768xf32, #tpu.memory_space<vmem>> -> memref<4096xf32, #tpu.memory_space<vmem>>
        %parallel_loop3A_76 = tpu.vector_load_idx %parallel_loop3A_75[%parallel_loop3A_57] : memref<4096xf32, #tpu.memory_space<vmem>>[vector<16xi32>], vector<16xf32>,
        %parallel_loop3A_77 = arith.constant 12288 : i32
        %parallel_loop3A_78 = tpu.memref_slice %arg6[%parallel_loop3A_77] : memref<32768xf32, #tpu.memory_space<vmem>> -> memref<4096xf32, #tpu.memory_space<vmem>>
        %parallel_loop3A_79 = tpu.vector_load_idx %parallel_loop3A_78[%parallel_loop3A_57] : memref<4096xf32, #tpu.memory_space<vmem>>[vector<16xi32>], vector<16xf32>,
        %parallel_loop3A_80 = arith.constant 16384 : i32
        %parallel_loop3A_81 = tpu.memref_slice %arg6[%parallel_loop3A_80] : memref<32768xf32, #tpu.memory_space<vmem>> -> memref<4096xf32, #tpu.memory_space<vmem>>
        %parallel_loop3A_82 = tpu.vector_load_idx %parallel_loop3A_81[%parallel_loop3A_57] : memref<4096xf32, #tpu.memory_space<vmem>>[vector<16xi32>], vector<16xf32>,
        %parallel_loop3A_83 = arith.constant 20480 : i32
        %parallel_loop3A_84 = tpu.memref_slice %arg6[%parallel_loop3A_83] : memref<32768xf32, #tpu.memory_space<vmem>> -> memref<4096xf32, #tpu.memory_space<vmem>>
        %parallel_loop3A_85 = tpu.vector_load_idx %parallel_loop3A_84[%parallel_loop3A_57] : memref<4096xf32, #tpu.memory_space<vmem>>[vector<16xi32>], vector<16xf32>,
        %parallel_loop3A_86 = arith.constant 24576 : i32
        %parallel_loop3A_87 = tpu.memref_slice %arg6[%parallel_loop3A_86] : memref<32768xf32, #tpu.memory_space<vmem>> -> memref<4096xf32, #tpu.memory_space<vmem>>
        %parallel_loop3A_88 = tpu.vector_load_idx %parallel_loop3A_87[%parallel_loop3A_57] : memref<4096xf32, #tpu.memory_space<vmem>>[vector<16xi32>], vector<16xf32>,
        %parallel_loop3A_89 = arith.constant 28672 : i32
        %parallel_loop3A_90 = tpu.memref_slice %arg6[%parallel_loop3A_89] : memref<32768xf32, #tpu.memory_space<vmem>> -> memref<4096xf32, #tpu.memory_space<vmem>>
        %parallel_loop3A_91 = tpu.vector_load_idx %parallel_loop3A_90[%parallel_loop3A_57] : memref<4096xf32, #tpu.memory_space<vmem>>[vector<16xi32>], vector<16xf32>,
        %parallel_loop3A_92 = arith.mulf %parallel_loop3A_70, %parallel_loop3A_67 : vector<16xf32>
        %parallel_loop3A_93 = arith.mulf %parallel_loop3A_73, %parallel_loop3A_67 : vector<16xf32>
        %parallel_loop3A_94 = arith.mulf %parallel_loop3A_76, %parallel_loop3A_67 : vector<16xf32>
        %parallel_loop3A_95 = arith.mulf %parallel_loop3A_79, %parallel_loop3A_67 : vector<16xf32>
        %parallel_loop3A_96 = arith.mulf %parallel_loop3A_82, %parallel_loop3A_67 : vector<16xf32>
        %parallel_loop3A_97 = arith.mulf %parallel_loop3A_85, %parallel_loop3A_67 : vector<16xf32>
        %parallel_loop3A_98 = arith.mulf %parallel_loop3A_88, %parallel_loop3A_67 : vector<16xf32>
        %parallel_loop3A_99 = arith.mulf %parallel_loop3A_91, %parallel_loop3A_67 : vector<16xf32>
        %parallel_loop3A_100 = arith.constant 0 : i32
        %parallel_loop3A_101 = tpu.memref_slice %arg7[%parallel_loop3A_100] : memref<32768xf32, #tpu.memory_space<vmem>> -> memref<4096xf32, #tpu.memory_space<vmem>>
        tpu.vector_store_idx %parallel_loop3A_101[%parallel_loop3A_60], %parallel_loop3A_92 {add = true} : memref<4096xf32, #tpu.memory_space<vmem>>[vector<16xi32>], vector<16xf32>,
        %parallel_loop3A_102 = arith.constant 4096 : i32
        %parallel_loop3A_103 = tpu.memref_slice %arg7[%parallel_loop3A_102] : memref<32768xf32, #tpu.memory_space<vmem>> -> memref<4096xf32, #tpu.memory_space<vmem>>
        tpu.vector_store_idx %parallel_loop3A_103[%parallel_loop3A_60], %parallel_loop3A_93 {add = true} : memref<4096xf32, #tpu.memory_space<vmem>>[vector<16xi32>], vector<16xf32>,
        %parallel_loop3A_104 = arith.constant 8192 : i32
        %parallel_loop3A_105 = tpu.memref_slice %arg7[%parallel_loop3A_104] : memref<32768xf32, #tpu.memory_space<vmem>> -> memref<4096xf32, #tpu.memory_space<vmem>>
        tpu.vector_store_idx %parallel_loop3A_105[%parallel_loop3A_60], %parallel_loop3A_94 {add = true} : memref<4096xf32, #tpu.memory_space<vmem>>[vector<16xi32>], vector<16xf32>,
        %parallel_loop3A_106 = arith.constant 12288 : i32
        %parallel_loop3A_107 = tpu.memref_slice %arg7[%parallel_loop3A_106] : memref<32768xf32, #tpu.memory_space<vmem>> -> memref<4096xf32, #tpu.memory_space<vmem>>
        tpu.vector_store_idx %parallel_loop3A_107[%parallel_loop3A_60], %parallel_loop3A_95 {add = true} : memref<4096xf32, #tpu.memory_space<vmem>>[vector<16xi32>], vector<16xf32>,
        %parallel_loop3A_108 = arith.constant 16384 : i32
        %parallel_loop3A_109 = tpu.memref_slice %arg7[%parallel_loop3A_108] : memref<32768xf32, #tpu.memory_space<vmem>> -> memref<4096xf32, #tpu.memory_space<vmem>>
        tpu.vector_store_idx %parallel_loop3A_109[%parallel_loop3A_60], %parallel_loop3A_96 {add = true} : memref<4096xf32, #tpu.memory_space<vmem>>[vector<16xi32>], vector<16xf32>,
        %parallel_loop3A_110 = arith.constant 20480 : i32
        %parallel_loop3A_111 = tpu.memref_slice %arg7[%parallel_loop3A_110] : memref<32768xf32, #tpu.memory_space<vmem>> -> memref<4096xf32, #tpu.memory_space<vmem>>
        tpu.vector_store_idx %parallel_loop3A_111[%parallel_loop3A_60], %parallel_loop3A_97 {add = true} : memref<4096xf32, #tpu.memory_space<vmem>>[vector<16xi32>], vector<16xf32>,
        %parallel_loop3A_112 = arith.constant 24576 : i32
        %parallel_loop3A_113 = tpu.memref_slice %arg7[%parallel_loop3A_112] : memref<32768xf32, #tpu.memory_space<vmem>> -> memref<4096xf32, #tpu.memory_space<vmem>>
        tpu.vector_store_idx %parallel_loop3A_113[%parallel_loop3A_60], %parallel_loop3A_98 {add = true} : memref<4096xf32, #tpu.memory_space<vmem>>[vector<16xi32>], vector<16xf32>,
        %parallel_loop3A_114 = arith.constant 28672 : i32
        %parallel_loop3A_115 = tpu.memref_slice %arg7[%parallel_loop3A_114] : memref<32768xf32, #tpu.memory_space<vmem>> -> memref<4096xf32, #tpu.memory_space<vmem>>
        tpu.vector_store_idx %parallel_loop3A_115[%parallel_loop3A_60], %parallel_loop3A_99 {add = true} : memref<4096xf32, #tpu.memory_space<vmem>>[vector<16xi32>], vector<16xf32>,
      } {sc.loop_unroll_factor = 4 : i64, sc.parallel_access}
      %dma_wait3A_33 = arith.constant 0 : i32
      %dma_wait3A_34 = tpu.memref_slice %arg3[%dma_wait3A_33] : memref<339968xi32, #tpu.memory_space<hbm>> -> memref<4096xi32, #tpu.memory_space<hbm>>
      %dma_wait3A_35 = arith.constant 0 : i32
      %dma_wait3A_36 = tpu.memref_slice %arg3[%dma_wait3A_35] : memref<339968xi32, #tpu.memory_space<hbm>> -> memref<4096xi32, #tpu.memory_space<hbm>>
      tpu.wait_dma2 semaphore(%arg11 : memref<!tpu.dma_semaphore, #tpu.memory_space<semaphore_mem>>) src(%dma_wait3A_36 : memref<4096xi32, #tpu.memory_space<hbm>>) dst(%arg9 : memref<4096xi32, #tpu.memory_space<vmem>>)
      %mul3A_37 = arith.constant 2 : i32
      %mul3A_38 = arith.muli %mul3A_37, %scan3A_16 : i32
      %add3A_39 = arith.constant 2 : i32
      %add3A_40 = arith.addi %mul3A_38, %add3A_39 : i32
      %mul3A_41 = arith.constant 2 : i32
      %mul3A_42 = arith.muli %add3A_40, %mul3A_41 : i32
      %mul3A_43 = arith.constant 2048 : i32
      %mul3A_44 = arith.muli %mul3A_42, %mul3A_43 : i32
      %dma_start3A_45 = tpu.memref_slice %arg3[%mul3A_44] : memref<339968xi32, #tpu.memory_space<hbm>> -> memref<4096xi32, #tpu.memory_space<hbm>>
      %dma_start3A_46 = tpu.memref_slice %arg3[%mul3A_44] : memref<339968xi32, #tpu.memory_space<hbm>> -> memref<4096xi32, #tpu.memory_space<hbm>>
      tpu.enqueue_dma source(%dma_start3A_46 : memref<4096xi32, #tpu.memory_space<hbm>>) target(%arg8 : memref<4096xi32, #tpu.memory_space<vmem>>) target_semaphore(%arg10 : memref<!tpu.dma_semaphore, #tpu.memory_space<semaphore_mem>>)
      %parallel_loop3A_47 = arith.constant 0 : i32
      %parallel_loop3A_48 = arith.constant 128 : i32
      %parallel_loop3A_49 = arith.constant 1 : i32
      scf.for %parallel_loop3A_50 = %parallel_loop3A_47 to %parallel_loop3A_48 step %parallel_loop3A_49  : i32 {
        %parallel_loop3A_51 = arith.constant 16 : i32
        %parallel_loop3A_52 = arith.muli %parallel_loop3A_50, %parallel_loop3A_51 : i32
        %parallel_loop3A_53 = arith.index_cast %parallel_loop3A_52 : i32 to index
        %parallel_loop3A_54 = tpu.vector_load %arg9[%parallel_loop3A_53] {strides = array<i32>} : memref<4096xi32, #tpu.memory_space<vmem>>, vector<16xi32>,
        %parallel_loop3A_55 = arith.constant 65535 : i32
        %parallel_loop3A_56 = vector.broadcast %parallel_loop3A_55 : i32 to vector<16xi32>
        %parallel_loop3A_57 = arith.andi %parallel_loop3A_54, %parallel_loop3A_56 : vector<16xi32>
        %parallel_loop3A_58 = arith.constant 16 : i32
        %parallel_loop3A_59 = vector.broadcast %parallel_loop3A_58 : i32 to vector<16xi32>
        %parallel_loop3A_60 = arith.shrui %parallel_loop3A_54, %parallel_loop3A_59 : vector<16xi32>
        %parallel_loop3A_61 = arith.constant 16 : i32
        %parallel_loop3A_62 = arith.muli %parallel_loop3A_50, %parallel_loop3A_61 : i32
        %parallel_loop3A_63 = arith.constant 2048 : i32
        %parallel_loop3A_64 = arith.addi %parallel_loop3A_63, %parallel_loop3A_62 : i32
        %parallel_loop3A_65 = arith.index_cast %parallel_loop3A_64 : i32 to index
        %parallel_loop3A_66 = tpu.vector_load %arg9[%parallel_loop3A_65] {strides = array<i32>} : memref<4096xi32, #tpu.memory_space<vmem>>, vector<16xi32>,
        %parallel_loop3A_67 = vector.bitcast %parallel_loop3A_66 : vector<16xi32> to vector<16xf32>
        %parallel_loop3A_68 = arith.constant 0 : i32
        %parallel_loop3A_69 = tpu.memref_slice %arg6[%parallel_loop3A_68] : memref<32768xf32, #tpu.memory_space<vmem>> -> memref<4096xf32, #tpu.memory_space<vmem>>
        %parallel_loop3A_70 = tpu.vector_load_idx %parallel_loop3A_69[%parallel_loop3A_57] : memref<4096xf32, #tpu.memory_space<vmem>>[vector<16xi32>], vector<16xf32>,
        %parallel_loop3A_71 = arith.constant 4096 : i32
        %parallel_loop3A_72 = tpu.memref_slice %arg6[%parallel_loop3A_71] : memref<32768xf32, #tpu.memory_space<vmem>> -> memref<4096xf32, #tpu.memory_space<vmem>>
        %parallel_loop3A_73 = tpu.vector_load_idx %parallel_loop3A_72[%parallel_loop3A_57] : memref<4096xf32, #tpu.memory_space<vmem>>[vector<16xi32>], vector<16xf32>,
        %parallel_loop3A_74 = arith.constant 8192 : i32
        %parallel_loop3A_75 = tpu.memref_slice %arg6[%parallel_loop3A_74] : memref<32768xf32, #tpu.memory_space<vmem>> -> memref<4096xf32, #tpu.memory_space<vmem>>
        %parallel_loop3A_76 = tpu.vector_load_idx %parallel_loop3A_75[%parallel_loop3A_57] : memref<4096xf32, #tpu.memory_space<vmem>>[vector<16xi32>], vector<16xf32>,
        %parallel_loop3A_77 = arith.constant 12288 : i32
        %parallel_loop3A_78 = tpu.memref_slice %arg6[%parallel_loop3A_77] : memref<32768xf32, #tpu.memory_space<vmem>> -> memref<4096xf32, #tpu.memory_space<vmem>>
        %parallel_loop3A_79 = tpu.vector_load_idx %parallel_loop3A_78[%parallel_loop3A_57] : memref<4096xf32, #tpu.memory_space<vmem>>[vector<16xi32>], vector<16xf32>,
        %parallel_loop3A_80 = arith.constant 16384 : i32
        %parallel_loop3A_81 = tpu.memref_slice %arg6[%parallel_loop3A_80] : memref<32768xf32, #tpu.memory_space<vmem>> -> memref<4096xf32, #tpu.memory_space<vmem>>
        %parallel_loop3A_82 = tpu.vector_load_idx %parallel_loop3A_81[%parallel_loop3A_57] : memref<4096xf32, #tpu.memory_space<vmem>>[vector<16xi32>], vector<16xf32>,
        %parallel_loop3A_83 = arith.constant 20480 : i32
        %parallel_loop3A_84 = tpu.memref_slice %arg6[%parallel_loop3A_83] : memref<32768xf32, #tpu.memory_space<vmem>> -> memref<4096xf32, #tpu.memory_space<vmem>>
        %parallel_loop3A_85 = tpu.vector_load_idx %parallel_loop3A_84[%parallel_loop3A_57] : memref<4096xf32, #tpu.memory_space<vmem>>[vector<16xi32>], vector<16xf32>,
        %parallel_loop3A_86 = arith.constant 24576 : i32
        %parallel_loop3A_87 = tpu.memref_slice %arg6[%parallel_loop3A_86] : memref<32768xf32, #tpu.memory_space<vmem>> -> memref<4096xf32, #tpu.memory_space<vmem>>
        %parallel_loop3A_88 = tpu.vector_load_idx %parallel_loop3A_87[%parallel_loop3A_57] : memref<4096xf32, #tpu.memory_space<vmem>>[vector<16xi32>], vector<16xf32>,
        %parallel_loop3A_89 = arith.constant 28672 : i32
        %parallel_loop3A_90 = tpu.memref_slice %arg6[%parallel_loop3A_89] : memref<32768xf32, #tpu.memory_space<vmem>> -> memref<4096xf32, #tpu.memory_space<vmem>>
        %parallel_loop3A_91 = tpu.vector_load_idx %parallel_loop3A_90[%parallel_loop3A_57] : memref<4096xf32, #tpu.memory_space<vmem>>[vector<16xi32>], vector<16xf32>,
        %parallel_loop3A_92 = arith.mulf %parallel_loop3A_70, %parallel_loop3A_67 : vector<16xf32>
        %parallel_loop3A_93 = arith.mulf %parallel_loop3A_73, %parallel_loop3A_67 : vector<16xf32>
        %parallel_loop3A_94 = arith.mulf %parallel_loop3A_76, %parallel_loop3A_67 : vector<16xf32>
        %parallel_loop3A_95 = arith.mulf %parallel_loop3A_79, %parallel_loop3A_67 : vector<16xf32>
        %parallel_loop3A_96 = arith.mulf %parallel_loop3A_82, %parallel_loop3A_67 : vector<16xf32>
        %parallel_loop3A_97 = arith.mulf %parallel_loop3A_85, %parallel_loop3A_67 : vector<16xf32>
        %parallel_loop3A_98 = arith.mulf %parallel_loop3A_88, %parallel_loop3A_67 : vector<16xf32>
        %parallel_loop3A_99 = arith.mulf %parallel_loop3A_91, %parallel_loop3A_67 : vector<16xf32>
        %parallel_loop3A_100 = arith.constant 0 : i32
        %parallel_loop3A_101 = tpu.memref_slice %arg7[%parallel_loop3A_100] : memref<32768xf32, #tpu.memory_space<vmem>> -> memref<4096xf32, #tpu.memory_space<vmem>>
        tpu.vector_store_idx %parallel_loop3A_101[%parallel_loop3A_60], %parallel_loop3A_92 {add = true} : memref<4096xf32, #tpu.memory_space<vmem>>[vector<16xi32>], vector<16xf32>,
        %parallel_loop3A_102 = arith.constant 4096 : i32
        %parallel_loop3A_103 = tpu.memref_slice %arg7[%parallel_loop3A_102] : memref<32768xf32, #tpu.memory_space<vmem>> -> memref<4096xf32, #tpu.memory_space<vmem>>
        tpu.vector_store_idx %parallel_loop3A_103[%parallel_loop3A_60], %parallel_loop3A_93 {add = true} : memref<4096xf32, #tpu.memory_space<vmem>>[vector<16xi32>], vector<16xf32>,
        %parallel_loop3A_104 = arith.constant 8192 : i32
        %parallel_loop3A_105 = tpu.memref_slice %arg7[%parallel_loop3A_104] : memref<32768xf32, #tpu.memory_space<vmem>> -> memref<4096xf32, #tpu.memory_space<vmem>>
        tpu.vector_store_idx %parallel_loop3A_105[%parallel_loop3A_60], %parallel_loop3A_94 {add = true} : memref<4096xf32, #tpu.memory_space<vmem>>[vector<16xi32>], vector<16xf32>,
        %parallel_loop3A_106 = arith.constant 12288 : i32
        %parallel_loop3A_107 = tpu.memref_slice %arg7[%parallel_loop3A_106] : memref<32768xf32, #tpu.memory_space<vmem>> -> memref<4096xf32, #tpu.memory_space<vmem>>
        tpu.vector_store_idx %parallel_loop3A_107[%parallel_loop3A_60], %parallel_loop3A_95 {add = true} : memref<4096xf32, #tpu.memory_space<vmem>>[vector<16xi32>], vector<16xf32>,
        %parallel_loop3A_108 = arith.constant 16384 : i32
        %parallel_loop3A_109 = tpu.memref_slice %arg7[%parallel_loop3A_108] : memref<32768xf32, #tpu.memory_space<vmem>> -> memref<4096xf32, #tpu.memory_space<vmem>>
        tpu.vector_store_idx %parallel_loop3A_109[%parallel_loop3A_60], %parallel_loop3A_96 {add = true} : memref<4096xf32, #tpu.memory_space<vmem>>[vector<16xi32>], vector<16xf32>,
        %parallel_loop3A_110 = arith.constant 20480 : i32
        %parallel_loop3A_111 = tpu.memref_slice %arg7[%parallel_loop3A_110] : memref<32768xf32, #tpu.memory_space<vmem>> -> memref<4096xf32, #tpu.memory_space<vmem>>
        tpu.vector_store_idx %parallel_loop3A_111[%parallel_loop3A_60], %parallel_loop3A_97 {add = true} : memref<4096xf32, #tpu.memory_space<vmem>>[vector<16xi32>], vector<16xf32>,
        %parallel_loop3A_112 = arith.constant 24576 : i32
        %parallel_loop3A_113 = tpu.memref_slice %arg7[%parallel_loop3A_112] : memref<32768xf32, #tpu.memory_space<vmem>> -> memref<4096xf32, #tpu.memory_space<vmem>>
        tpu.vector_store_idx %parallel_loop3A_113[%parallel_loop3A_60], %parallel_loop3A_98 {add = true} : memref<4096xf32, #tpu.memory_space<vmem>>[vector<16xi32>], vector<16xf32>,
        %parallel_loop3A_114 = arith.constant 28672 : i32
        %parallel_loop3A_115 = tpu.memref_slice %arg7[%parallel_loop3A_114] : memref<32768xf32, #tpu.memory_space<vmem>> -> memref<4096xf32, #tpu.memory_space<vmem>>
        tpu.vector_store_idx %parallel_loop3A_115[%parallel_loop3A_60], %parallel_loop3A_99 {add = true} : memref<4096xf32, #tpu.memory_space<vmem>>[vector<16xi32>], vector<16xf32>,
      } {sc.loop_unroll_factor = 4 : i64, sc.parallel_access}
    }
    %scan3A_10 = arith.constant 41 : i32
    %dma_wait3A = arith.constant 0 : i32
    %dma_wait3A_11 = tpu.memref_slice %arg3[%dma_wait3A] : memref<339968xi32, #tpu.memory_space<hbm>> -> memref<4096xi32, #tpu.memory_space<hbm>>
    %dma_wait3A_12 = arith.constant 0 : i32
    %dma_wait3A_13 = tpu.memref_slice %arg3[%dma_wait3A_12] : memref<339968xi32, #tpu.memory_space<hbm>> -> memref<4096xi32, #tpu.memory_space<hbm>>
    tpu.wait_dma2 semaphore(%arg10 : memref<!tpu.dma_semaphore, #tpu.memory_space<semaphore_mem>>) src(%dma_wait3A_13 : memref<4096xi32, #tpu.memory_space<hbm>>) dst(%arg8 : memref<4096xi32, #tpu.memory_space<vmem>>)
    %mul3A_14 = arith.constant 32768 : i32
    %mul3A_15 = arith.muli %add3A, %mul3A_14 : i32
    "tpu.region"() ({
      %run_scoped3A = tpu.sem_alloc : memref<!tpu.dma_semaphore, #tpu.memory_space<semaphore_mem>>
      %dma_start3A_16 = tpu.memref_slice %arg5[%mul3A_15] : memref<1048576xf32, #tpu.memory_space<hbm>> -> memref<32768xf32, #tpu.memory_space<hbm>>
      %dma_start3A_17 = tpu.memref_slice %arg5[%mul3A_15] : memref<1048576xf32, #tpu.memory_space<hbm>> -> memref<32768xf32, #tpu.memory_space<hbm>>
      tpu.enqueue_dma source(%arg7 : memref<32768xf32, #tpu.memory_space<vmem>>) target(%dma_start3A_17 : memref<32768xf32, #tpu.memory_space<hbm>>) target_semaphore(%run_scoped3A : memref<!tpu.dma_semaphore, #tpu.memory_space<semaphore_mem>>)
      %dma_wait3A_18 = tpu.memref_slice %arg5[%mul3A_15] : memref<1048576xf32, #tpu.memory_space<hbm>> -> memref<32768xf32, #tpu.memory_space<hbm>>
      %dma_wait3A_19 = tpu.memref_slice %arg5[%mul3A_15] : memref<1048576xf32, #tpu.memory_space<hbm>> -> memref<32768xf32, #tpu.memory_space<hbm>>
      tpu.wait_dma2 semaphore(%run_scoped3A : memref<!tpu.dma_semaphore, #tpu.memory_space<semaphore_mem>>) src(%arg7 : memref<32768xf32, #tpu.memory_space<vmem>>) dst(%dma_wait3A_19 : memref<32768xf32, #tpu.memory_space<hbm>>)
      tpu.yield
    }) : () -> ()
    return
  }
}

</mosaic_0001>

<sc_bundles>
// kernel: kernel.3.cloned.1.call-start
scs
__scs_entry_jumppad:
0x0: {  	(pc) =	sbr.rel $0x88, $3  }
0x1: {  	(tag) =	ssettag $0x0;
	lr =	simm.s32 $0x1  }
0x2: {  	[smem:$0x3F9C] =	sst lr;
	_ =	strace $0xD0000000  }
0x3: {  	_ = 	snop  }
0x4: {  	_ = 	snop  }
0x5: {  	_ = 	snop  }
0x6: {  	_ = 	snop  }
0x7: {  	_ = 	snop  }
__scs_overlays_trampoline_lowered:
0x8: {  	[smem:$0x3FAB] =	sst s0  }
0x9: {  	[smem:$0x3FAC] =	sst s1  }
0xa: {  	[smem:$0x3FAD] =	sst s2  }
0xb: {  	[smem:$0x3FAE] =	sst s3  }
0xc: {  	[smem:$0x3FAF] =	sst s4  }
0xd: {  	[smem:$0x3FB0] =	sst s5  }
0xe: {  	[smem:$0x3FB1] =	sst s6  }
0xf: {  	[smem:$0x3FB2] =	sst s7  }
0x10: {  	[smem:$0x3FB3] =	sst s8  }
0x11: {  	[smem:$0x3FB4] =	sst s9;
	s0 =	simm.s32 @!p0 $0x0  }
0x12: {  	s1 =	sld [smem:$0x3F9A];
	s0 =	simm.s32 @p0 $0x1  }
0x13: {  	[smem:$0x3FB5] =	sst s0;
	s0 =	simm.s32 @!p1 $0x0  }
0x14: {  	s2 =	sld [smem:$0x3F99];
	s0 =	simm.s32 @p1 $0x1  }
0x15: {  	[smem:$0x3FB6] =	sst s0;
	s0 =	simm.s32 @!p2 $0x0  }
0x16: {  	s3 =	sld [smem:$0x3FDB];
	s0 =	simm.s32 @p2 $0x1  }
0x17: {  	s4 =	simm.s32 $0x1BF5;
	[smem:$0x3FB8] =	sst s0  }
0x18: {  	s0 =	sld [smem:$0x3F9B];
	_ =	swait.ge [sflag:s4], $0x0  }
0x19: {  	s7 =	sld [smem:$0x3F9C]  }
0x1a: {  	s8 =	sadd.s32 $0xFFFFE003, lr  }
0x1b: {  	s9 =	sadd.s32 $0xFFFFFEF7, lr;
	s5 =	simm.s32 $0xFFFFFFFF;
	p2 =	slt.u32 s8, $0xFFFFF086  }
0x1c: {  	p1 =	slt.u32 s9, $0xF7A;
	s5 =	simm.s32 @!p2 $0x0  }
0x1d: {  	s5 =	simm.s32 @p1 $0x1;
	p0 =	seq.s32 s7, s2  }
0x1e: {  	s7 =	smul.u32 @!p0 $0xF7A, s2;
	p2 =	seq.s32 @!p0 s5, $0x0  }
0x1f: {  	s9 =	smul.u32 $0xF7A, s1;
	s8 =	simm.s32 @!p0 $0x1BF5;
	p2 =	por !p2, p0  }
0x20: {  	[sflag:s8] =	ssyncset.s32 @!p0 $0xFFFFF086;
	s6 =	sadd.s32 @!p0 s3, s7;
	s7 =	simm.s32 @!p0 $0x108  }
0x21: {  	s3 =	sadd.s32 s3, s9;
	s6 =	sadd.s32 @!p0 $0x88, s6;
	s7 =	simm.s32 @p2 $0x1082  }
0x22: {  	[simem:s7], [sflag:s8] =	dma.local @!p0 [hbm:s6], $0xF7A  }
0x23: {  	s9 =	sor.u32 $0xD0000000, s2;
	s6 =	simm.s32 $0x108;
	_ =	swait.ge @!p0 [sflag:s8], $0x0  }
0x24: {  	s3 =	sadd.s32 $0x88, s3;
	s6 =	simm.s32 @!p1 $0x1082;
	[sflag:s4] =	ssyncset.s32 $0xFFFFF086  }
0x25: {  	[simem:s6], [sflag:s4] =	dma.local [hbm:s3], $0xF7A  }
0x26: {  	[smem:$0x3F9C] =	sst s1;
	(tag) =	ssettag s2;
	_ =	strace s9  }
0x27: {  	s1 =	sld [smem:$0x3FAC]  }
0x28: {  	s2 =	sld [smem:$0x3FAD]  }
0x29: {  	s4 =	sld [smem:$0x3FAF]  }
0x2a: {  	p0 =	seq.s32 s5, $0x0;
	s5 =	sld [smem:$0x3FB0]  }
0x2b: {  	s6 =	sld [smem:$0x3FB1]  }
0x2c: {  	s7 =	sld [smem:$0x3FB2]  }
0x2d: {  	s3 =	simm.s32 $0x108;
	s8 =	sld [smem:$0x3FB3]  }
0x2e: {  	s3 =	simm.s32 @!p0 $0x1082;
	s9 =	sld [smem:$0x3FB4]  }
0x2f: {  	lr =	sadd.s32 s0, s3;
	s0 =	sld [smem:$0x3FAB]  }
0x30: {  	s3 =	sld [smem:$0x3FAE]  }
0x31: {  	[smem:$0x3FB7] =	sst s10  }
0x32: {  	s10 =	sld [smem:$0x3FB5];
	_ =	sdelay $0x3  }
0x33: {  	p0 =	seq.s32 s10, $0x1;
	s10 =	sld [smem:$0x3FB7];
	_ =	sdelay $0x3  }
0x34: {  	[smem:$0x3FB7] =	sst s10  }
0x35: {  	s10 =	sld [smem:$0x3FB6];
	_ =	sdelay $0x3  }
0x36: {  	p1 =	seq.s32 s10, $0x1;
	s10 =	sld [smem:$0x3FB7];
	_ =	sdelay $0x3  }
0x37: {  	[smem:$0x3FB7] =	sst s10  }
0x38: {  	s10 =	sld [smem:$0x3FB8]  }
0x39: {  	_ = 	snop;
	(pc) =	sbr.ind lr, $3  }
0x3a: {  	_ = 	snop  }
0x3b: {  	_ = 	snop  }
0x3c: {  	p2 =	seq.s32 s10, $0x1;
	s10 =	sld [smem:$0x3FB7]  }
0x3d: {  	_ =	shalt  }
0x3e: {  	_ =	shalt  }
0x3f: {  	_ =	shalt  }
0x40: {  	_ =	shalt  }
0x41: {  	_ =	shalt  }
0x42: {  	_ =	shalt  }
0x43: {  	_ =	shalt  }
0x44: {  	_ =	shalt  }
0x45: {  	_ =	shalt  }
0x46: {  	_ =	shalt  }
0x47: {  	_ =	shalt  }
0x48: {  	_ =	shalt  }
0x49: {  	_ =	shalt  }
0x4a: {  	_ =	shalt  }
0x4b: {  	_ =	shalt  }
0x4c: {  	_ =	shalt  }
0x4d: {  	_ =	shalt  }
0x4e: {  	_ =	shalt  }
0x4f: {  	_ =	shalt  }
0x50: {  	_ =	shalt  }
0x51: {  	_ =	shalt  }
0x52: {  	_ =	shalt  }
0x53: {  	_ =	shalt  }
0x54: {  	_ =	shalt  }
0x55: {  	_ =	shalt  }
0x56: {  	_ =	shalt  }
0x57: {  	_ =	shalt  }
0x58: {  	_ =	shalt  }
0x59: {  	_ =	shalt  }
0x5a: {  	_ =	shalt  }
0x5b: {  	_ =	shalt  }
0x5c: {  	_ =	shalt  }
0x5d: {  	_ =	shalt  }
0x5e: {  	_ =	shalt  }
0x5f: {  	_ =	shalt  }
0x60: {  	_ =	shalt  }
0x61: {  	_ =	shalt  }
0x62: {  	_ =	shalt  }
0x63: {  	_ =	shalt  }
0x64: {  	_ =	shalt  }
0x65: {  	_ =	shalt  }
0x66: {  	_ =	shalt  }
0x67: {  	_ =	shalt  }
0x68: {  	_ =	shalt  }
0x69: {  	_ =	shalt  }
0x6a: {  	_ =	shalt  }
0x6b: {  	_ =	shalt  }
0x6c: {  	_ =	shalt  }
0x6d: {  	_ =	shalt  }
0x6e: {  	_ =	shalt  }
0x6f: {  	_ =	shalt  }
0x70: {  	_ =	shalt  }
0x71: {  	_ =	shalt  }
0x72: {  	_ =	shalt  }
0x73: {  	_ =	shalt  }
0x74: {  	_ =	shalt  }
0x75: {  	_ =	shalt  }
0x76: {  	_ =	shalt  }
0x77: {  	_ =	shalt  }
0x78: {  	_ =	shalt  }
0x79: {  	_ =	shalt  }
0x7a: {  	_ =	shalt  }
0x7b: {  	_ =	shalt  }
0x7c: {  	_ =	shalt  }
0x7d: {  	_ =	shalt  }
0x7e: {  	_ =	shalt  }
0x7f: {  	_ =	shalt  }
0x80: {  	_ =	shalt  }
0x81: {  	_ =	shalt  }
0x82: {  	_ =	shalt  }
0x83: {  	_ =	shalt  }
0x84: {  	_ =	shalt  }
0x85: {  	_ =	shalt  }
0x86: {  	_ =	shalt  }
0x87: {  	_ =	shalt  }
.Lfunc_end0:
.L_simem_size_0:
called_computation_lowered:
.L_overlay_start_0:
0x88: {  	s2 =	sld [smem:$0x3FD9]  }
0x89: {  	s3 =	sld [smem:$0x3FFE];
	_ =	sdelay $0x1  }
0x8a: {  	s1 =	srdreg.scid  }
0x8b: {  	s0 =	sand.u32 $0x1, s1  }
0x8c: {  	s17 =	sshll.u32 s0, $0xA;
	s2 =	sadd.s32 s3, s2  }
0x8d: {  	s2 =	sadd.s32 s2, s17  }
0x8e: {  	[smem:$0x3FC3] =	sst s2  }
0x8f: {  	_ = 	snop  }
0x90: {  	s2 =	sld [smem:$0x3FC5]  }
0x91: {  	s18 =	sld [smem:$0x3FD0];
	(tm) =	ssettm $0x1  }
0x92: {  	s4 =	sld [smem:$0x3FFB];
	_ =	sdelay $0x3  }
0x93: {  	_ =	strace s4  }
0x94: {  	s4 =	sld [smem:$0x3FFC];
	_ =	sdelay $0x3  }
0x95: {  	_ =	strace s4  }
0x96: {  	s4 =	sld [smem:$0x3FFD];
	_ =	sdelay $0x3  }
0x97: {  	_ =	strace s4  }
0x98: {  	_ =	strace $0x8FFFFFFF  }
0x99: {  	s19 =	sld [smem:$0x3FDB];
	_ =	sdelay $0x1  }
0x9a: {  	s5 =	simm.s32 $_scs_section_size  }
0x9b: {  	s6 =	simm.s32 $_size__tile_overlayer_lowered;
	s7 =	simm.s32 $_tile_overlayer_lowered  }
0x9c: {  	s22 =	simm.s32 $0x1BFF;
	s21 =	sshll.u32 s7, $0x1;
	s4 =	sadd.s32 s5, s19  }
0x9d: {  	s8 =	simm.s32 $0x0;
	s20 =	sshll.u32 s6, $0x1;
	s6 =	sadd.s32 s21, s4  }
0x9e: {  	[timem:s8], [sflag:s22] =	dma.local [hbm:s6], s20  }
0x9f: {  	_ =	swait.ge [sflag:s22], s20  }
0xa0: {  	s5 =	ssub.s32 $0x0, s20;
	[sflag:s22] =	ssyncset.done $0x0  }
0xa1: {  	[sflag:s22] =	ssyncadd.s32 s5;
	_ =	sdelay $0x1  }
0xa2: {  	s23 =	simm.s32 $0x1B8B  }
0xa3: {  	_ =	swait.ge [sflag:s23], $0x1  }
0xa4: {  	[sflag:s23] =	ssyncset.done $0x0  }
0xa5: {  	s25 =	simm.s32 $0x1B8E;
	s24 =	sld [smem:$0x3FFE];
	[sflag:s23] =	ssyncadd.s32 $0xFFFFFFFF  }
0xa6: {  	s26 =	simm.s32 $execute0_lowered;
	[smem:$0x3FD2] =	sst s25  }
0xa7: {  	s6 =	sshll.u32 s26, $0x1;
	_ =	strace $0x80000046;
	[dreg:$0x1] =	wrdreg $0xFFFFFFFF  }
0xa8: {  	s28 =	simm.s32 $_size_execute0_lowered;
	s4 =	sadd.s32 s4, s6;
	[dreg:$0x0] =	wrdreg $0x0  }
0xa9: {  	s6 =	sshll.u32 s28, $0x1;
	[dreg:$0x2] =	wrdreg s4  }
0xaa: {  	[dreg:$0x3] =	wrdreg s6  }
0xab: {  	[dreg:$0x4] =	wrdreg $0xC0  }
0xac: {  	_ =	task [dreg:s8], $0x5FFFF  }
0xad: {  	[dreg:$0x1] =	wrdreg $0xFFFFFFFF  }
0xae: {  	[dreg:$0x0] =	wrdreg $0x60  }
0xaf: {  	[dreg:$0x2] =	wrdreg s18  }
0xb0: {  	[dreg:$0x3] =	wrdreg s24  }
0xb1: {  	[dreg:$0x4] =	wrdreg s2  }
0xb2: {  	[dreg:$0x5] =	wrdreg $0x9  }
0xb3: {  	_ =	task.clear_ibuf [dreg:s8], $0x6FFFF;
	_ =	strace $0x90000046  }
0xb4: {  	s29 =	simm.s32 $0x9;
	_ =	strace $0x80000048  }
0xb5: {  	_ =	swait.ge [sflag:s29], $0x1  }
0xb6: {  	[sflag:s29] =	ssyncadd.s32 $0xFFFFFFFF  }
0xb7: {  	_ =	strace $0x90000048  }
0xb8: {  	_ =	sfence  }
0xb9: {  	s30 =	sld [smem:$0x0];
	_ =	sdelay $0x2  }
0xba: {  	s31 =	sshll.u32 s1, $0xD;
	s1 =	sshrl.u32 s1, $0x2  }
0xbb: {  	s3 =	sand.u32 $0x4000, s31;
	s1 =	sadd.s32 s1, s30  }
0xbc: {  	s0 =	sor.u32 s3, s0;
	s1 =	sshll.u32 s1, $0x11  }
0xbd: {  	s0 =	sor.u32 s1, s0  }
0xbe: {  	s0 =	sadd.s32 $0x8F2B, s0  }
0xbf: {  	[sflag:s0] =	ssyncadd.remote.s32 $0x1  }
0xc0: {  	_ =	sfence.sel $0xFFFF  }
0xc1: {  	[dreg:$0x0] =	wrdreg $0xFFFFFFFF;
	(pc) =	sbr.abs _section_cstart, $3  }
0xc2: {  	[dreg:$0x1] =	wrdreg $0xFFFFFFFF  }
0xc3: {  	_ =	task.clear_ibuf [dreg:s8], $0x2FFFF;
	_ =	strace $0x9FFFFFFF  }
0xc4: {  	(tm) =	ssettm $0x7FFFFFFF  }
0xc5: {  	_ =	shalt  }
tec
execute0_lowered:
.L_overlay_start_1:
0x0: {  	(tag) =	ssettag $0x1  }
0x1: {  	s0 =	rddreg [dreg:$0x0]  }
0x2: {  	s1 =	rddreg [dreg:$0x1]  }
0x3: {  	s2 =	rddreg [dreg:$0x2];
	s4 =	srdreg.scid;
	s3 =	simm.s32 $0x0  }
0x4: {  	s5 =	stileid.u32;
	s10 =	simm.s32 $0x3;
	s11 =	simm.s32 $0x8000  }
0x5: {  	s12 =	simm.s32 $0x9000;
	s13 =	simm.s32 $0xA000;
	s14 =	simm.s32 $0xB000  }
0x6: {  	s15 =	simm.s32 $0xC000;
	s16 =	simm.s32 $0xD000;
	s17 =	simm.s32 $0xE000  }
0x7: {  	s18 =	simm.s32 $0xF000;
	s19 =	simm.s32 $0x10000;
	s20 =	simm.s32 $0x1  }
0x8: {  	s21 =	simm.s32 $0x11000;
	s22 =	simm.s32 $0x1000;
	s28 =	simm.s32 $0x6000  }
0x9: {  	s29 =	simm.s32 $0x7000;
	s30 =	simm.s32 $0x2;
	s31 =	simm.s32 $0x0  }
0xa: {  	s4 =	sand.u32 $0x1, s4;
	[smem:$0x7FF] =	sst s3;
	s5 =	sshll.u32 s5, $0xD  }
0xb: {  	s23 =	sadd.s32 $0xA00, s1;
	s7 =	sadd.s32 $0xE00, s1;
	s6 =	sshll.u32 s4, $0xC  }
0xc: {  	_ =	strace $0x80000047;
	s4 =	ssub.s32 $0x2, s4;
	[dreg:$0x4] =	wrdreg s23  }
0xd: {  	s23 =	simm.s32 $0x2000;
	s5 =	sor.u32 s6, s5;
	s24 =	sshrl.u32 s4, $0x1  }
0xe: {  	s6 =	sadd.s32 $0xC00, s1;
	s8 =	sadd.s32 s5, s1;
	s0 =	sadd.s32 s0, s5  }
0xf: {  	s4 =	ssub.s32 s4, s24;
	[dreg:$0x5] =	wrdreg s0;
	s25 =	sadd.s32 $0xB000, s8  }
0x10: {  	s24 =	simm.s32 $0x3000;
	s26 =	smax.u32 s4, $0x1;
	[dreg:$0x6] =	wrdreg s25  }
0x11: {  	[dreg:$0x7] =	wrdreg s26;
	s25 =	simm.s32 $0x4000;
	s26 =	simm.s32 $0x5000  }
.LBB2_1:
0x12: {  	s0 =	rddreg [dreg:$0x5]  }
0x13: {  	[tilespmem:s3], [sflag:$0x3] =	stream.linear.gather [hbm4b:s0+s3], $0x8000, $0x38;
	[tilespmem:$0x12000] =	vst v63  }
0x14: {  	_ =	swait.ge [sflag:s10], $0x8000  }
0x15: {  	[sflag:s10] =	ssyncset.done $0x0  }
0x16: {  	[sflag:s10] =	ssyncadd.s32 $0xFFFF8000  }
0x17: {  	[tilespmem:s11], [sflag:$0x3] =	stream.linear.gather [hbm4b:s2+s3], $0x1000, $0x38;
	[tilespmem:$0x12000] =	vst v63  }
0x18: {  	_ =	swait.ge [sflag:s10], $0x1000  }
0x19: {  	[sflag:s10] =	ssyncset.done $0x0  }
0x1a: {  	[sflag:s10] =	ssyncadd.s32 $0xFFFFF000  }
0x1b: {  	[tilespmem:s12], [sflag:$0x3] =	stream.linear.gather [hbm4b:s2+s3], $0x1000, $0x38;
	[tilespmem:$0x12000] =	vst v63  }
0x1c: {  	_ =	swait.ge [sflag:s10], $0x1000  }
0x1d: {  	[sflag:s10] =	ssyncset.done $0x0  }
0x1e: {  	[sflag:s10] =	ssyncadd.s32 $0xFFFFF000  }
0x1f: {  	[tilespmem:s13], [sflag:$0x3] =	stream.linear.gather [hbm4b:s2+s3], $0x1000, $0x38;
	[tilespmem:$0x12000] =	vst v63  }
0x20: {  	_ =	swait.ge [sflag:s10], $0x1000  }
0x21: {  	[sflag:s10] =	ssyncset.done $0x0  }
0x22: {  	[sflag:s10] =	ssyncadd.s32 $0xFFFFF000  }
0x23: {  	[tilespmem:s14], [sflag:$0x3] =	stream.linear.gather [hbm4b:s2+s3], $0x1000, $0x38;
	[tilespmem:$0x12000] =	vst v63  }
0x24: {  	_ =	swait.ge [sflag:s10], $0x1000  }
0x25: {  	[sflag:s10] =	ssyncset.done $0x0  }
0x26: {  	[sflag:s10] =	ssyncadd.s32 $0xFFFFF000  }
0x27: {  	[tilespmem:s15], [sflag:$0x3] =	stream.linear.gather [hbm4b:s2+s3], $0x1000, $0x38;
	[tilespmem:$0x12000] =	vst v63  }
0x28: {  	_ =	swait.ge [sflag:s10], $0x1000  }
0x29: {  	[sflag:s10] =	ssyncset.done $0x0  }
0x2a: {  	[sflag:s10] =	ssyncadd.s32 $0xFFFFF000  }
0x2b: {  	[tilespmem:s16], [sflag:$0x3] =	stream.linear.gather [hbm4b:s2+s3], $0x1000, $0x38;
	[tilespmem:$0x12000] =	vst v63  }
0x2c: {  	_ =	swait.ge [sflag:s10], $0x1000  }
0x2d: {  	[sflag:s10] =	ssyncset.done $0x0  }
0x2e: {  	[sflag:s10] =	ssyncadd.s32 $0xFFFFF000  }
0x2f: {  	[tilespmem:s17], [sflag:$0x3] =	stream.linear.gather [hbm4b:s2+s3], $0x1000, $0x38;
	[tilespmem:$0x12000] =	vst v63  }
0x30: {  	_ =	swait.ge [sflag:s10], $0x1000  }
0x31: {  	[sflag:s10] =	ssyncset.done $0x0  }
0x32: {  	[sflag:s10] =	ssyncadd.s32 $0xFFFFF000  }
0x33: {  	[tilespmem:s18], [sflag:$0x3] =	stream.linear.gather [hbm4b:s2+s3], $0x1000, $0x38;
	[tilespmem:$0x12000] =	vst v63  }
0x34: {  	_ =	swait.ge [sflag:s10], $0x1000  }
0x35: {  	[sflag:s10] =	ssyncset.done $0x0  }
0x36: {  	s0 =	simm.s32 $0x0;
	s9 =	rddreg [dreg:$0x4];
	[sflag:s10] =	ssyncadd.s32 $0xFFFFF000  }
0x37: {  	[tilespmem:s19], [sflag:$0x1] =	stream.linear.gather [hbm4b:s9+s3], $0x1000, $0x38;
	[tilespmem:$0x12000] =	vst v63  }
.LBB2_2:
0x38: {  	_ =	swait.ge [sflag:s20], $0x1000  }
0x39: {  	s1 =	sshll.u32 s0, $0xA;
	s4 =	simm.s32 $0x0;
	[sflag:s20] =	ssyncset.done $0x0  }
0x3a: {  	s9 =	simm.s32 $0x10000;
	s5 =	sadd.s32 s1, s6;
	[sflag:s20] =	ssyncadd.s32 $0xFFFFF000  }
0x3b: {  	[tilespmem:s21], [sflag:$0x2] =	stream.linear.gather [hbm4b:s5+s4], $0x1000, $0x38;
	[tilespmem:$0x12000] =	vst v63  }
0x3c: {  	v0 =	vld [tilespmem:s9+$0x30];
	_ =	sdelay $0x2  }
0x3d: {  	v1 =	vld [tilespmem:s9+$0x10]  }
0x3e: {  	v2 =	vld [tilespmem:s9+$0x20]  }
0x3f: {  	v3 =	vld [tilespmem:s9+$0x0];
	v4 =	vand.u32 $0xFFFF, v0  }
0x40: {  	v5 =	vld [tilespmem:s9+$0x810]  }
0x41: {  	s8 =	sand.u32 $0x7C0, s4;
	v6 =	vld [tilespmem:s9+$0x820]  }
0x42: {  	v7 =	vld [tilespmem:s8+$0x10800]  }
0x43: {  	v8 =	vld [tilespmem:s9+$0x830]  }
0x44: {  	v9 =	vld.idx.msk [tilespmem:v4+s3+$0x0], $0xffff  }
0x45: {  	v10 =	vld.idx.msk [tilespmem:v4+s22+$0x0], $0xffff  }
0x46: {  	v11 =	vld.idx.msk [tilespmem:v4+s23+$0x0], $0xffff  }
0x47: {  	v49 =	vand.u32 $0xFFFF, v3;
	v12 =	vld.idx.msk [tilespmem:v4+s24+$0x0], $0xffff  }
0x48: {  	v13 =	vld.idx.msk [tilespmem:v4+s25+$0x0], $0xffff  }
0x49: {  	v14 =	vld.idx.msk [tilespmem:v4+s26+$0x0], $0xffff  }
0x4a: {  	v15 =	vld.idx.msk [tilespmem:v4+s28+$0x0], $0xffff  }
0x4b: {  	v4 =	vld.idx.msk [tilespmem:v4+s29+$0x0], $0xffff  }
0x4c: {  	v53 =	vand.u32 $0xFFFF, v1;
	v52 =	vld.idx.msk [tilespmem:v49+s23+$0x0], $0xffff  }
0x4d: {  	v54 =	vld.idx.msk [tilespmem:v49+s24+$0x0], $0xffff  }
0x4e: {  	v55 =	vld.idx.msk [tilespmem:v49+s25+$0x0], $0xffff  }
0x4f: {  	v56 =	vld.idx.msk [tilespmem:v49+s26+$0x0], $0xffff  }
0x50: {  	v57 =	vld.idx.msk [tilespmem:v49+s28+$0x0], $0xffff  }
0x51: {  	v58 =	vld.idx.msk [tilespmem:v53+s3+$0x0], $0xffff  }
0x52: {  	v16 =	vld.idx.msk [tilespmem:v53+s22+$0x0], $0xffff  }
0x53: {  	v18 =	vand.u32 $0xFFFF, v2;
	v17 =	vld.idx.msk [tilespmem:v53+s23+$0x0], $0xffff  }
0x54: {  	v19 =	vld.idx.msk [tilespmem:v53+s24+$0x0], $0xffff  }
0x55: {  	v20 =	vld.idx.msk [tilespmem:v53+s25+$0x0], $0xffff  }
0x56: {  	v21 =	vld.idx.msk [tilespmem:v53+s26+$0x0], $0xffff  }
0x57: {  	v0 =	vshrl.u32 v0, $0x10;
	v22 =	vld.idx.msk [tilespmem:v53+s28+$0x0], $0xffff  }
0x58: {  	v23 =	vld.idx.msk [tilespmem:v18+s3+$0x0], $0xffff  }
0x59: {  	v24 =	vld.idx.msk [tilespmem:v18+s22+$0x0], $0xffff  }
0x5a: {  	v25 =	vld.idx.msk [tilespmem:v18+s23+$0x0], $0xffff;
	v9 =	vmul.f32 v9, v8  }
0x5b: {  	v26 =	vld.idx.msk [tilespmem:v18+s24+$0x0], $0xffff;
	v10 =	vmul.f32 v10, v8  }
0x5c: {  	v11 =	vmul.f32 v11, v8;
	[tilespmem:v0+s11+$0x0] =	vst.idx.add.f32.msk $0xffff, v9  }
0x5d: {  	v47 =	vmul.f32 v12, v8;
	[tilespmem:v0+s12+$0x0] =	vst.idx.add.f32.msk $0xffff, v10  }
0x5e: {  	v48 =	vmul.f32 v13, v8;
	[tilespmem:v0+s13+$0x0] =	vst.idx.add.f32.msk $0xffff, v11  }
0x5f: {  	v50 =	vmul.f32 v14, v8;
	[tilespmem:v0+s14+$0x0] =	vst.idx.add.f32.msk $0xffff, v47  }
0x60: {  	v51 =	vmul.f32 v15, v8;
	[tilespmem:v0+s15+$0x0] =	vst.idx.add.f32.msk $0xffff, v48  }
0x61: {  	v4 =	vmul.f32 v4, v8;
	[tilespmem:v0+s16+$0x0] =	vst.idx.add.f32.msk $0xffff, v50  }
0x62: {  	[tilespmem:v0+s17+$0x0] =	vst.idx.add.f32.msk $0xffff, v51  }
0x63: {  	[tilespmem:v0+s18+$0x0] =	vst.idx.add.f32.msk $0xffff, v4  }
0x64: {  	v0 =	vld.idx.msk [tilespmem:v49+s3+$0x0], $0xffff  }
0x65: {  	v4 =	vld.idx.msk [tilespmem:v49+s22+$0x0], $0xffff  }
0x66: {  	v3 =	vshrl.u32 v3, $0x10;
	v27 =	vld.idx.msk [tilespmem:v18+s25+$0x0], $0xffff  }
0x67: {  	v28 =	vld.idx.msk [tilespmem:v18+s26+$0x0], $0xffff  }
0x68: {  	v60 =	vld.idx.msk [tilespmem:v18+s29+$0x0], $0xffff  }
0x69: {  	v9 =	vld.idx.msk [tilespmem:v53+s29+$0x0], $0xffff;
	v0 =	vmul.f32 v0, v7  }
0x6a: {  	v11 =	vld.idx.msk [tilespmem:v49+s29+$0x0], $0xffff;
	v4 =	vmul.f32 v4, v7  }
0x6b: {  	[tilespmem:v3+s11+$0x0] =	vst.idx.add.f32.msk $0xffff, v0  }
0x6c: {  	v0 =	vmul.f32 v52, v7;
	[tilespmem:v3+s12+$0x0] =	vst.idx.add.f32.msk $0xffff, v4  }
0x6d: {  	v59 =	vmul.f32 v54, v7;
	v4 =	vld.idx.msk [tilespmem:v18+s28+$0x0], $0xffff  }
0x6e: {  	v12 =	vmul.f32 v55, v7;
	[tilespmem:v3+s13+$0x0] =	vst.idx.add.f32.msk $0xffff, v0  }
0x6f: {  	v1 =	vshrl.u32 v1, $0x10;
	v0 =	vmul.f32 v56, v7;
	[tilespmem:v3+s14+$0x0] =	vst.idx.add.f32.msk $0xffff, v59  }
0x70: {  	v61 =	vmul.f32 v57, v7;
	[tilespmem:v3+s15+$0x0] =	vst.idx.add.f32.msk $0xffff, v12  }
0x71: {  	v7 =	vmul.f32 v11, v7;
	[tilespmem:v3+s16+$0x0] =	vst.idx.add.f32.msk $0xffff, v0  }
0x72: {  	v0 =	vmul.f32 v58, v5;
	[tilespmem:v3+s17+$0x0] =	vst.idx.add.f32.msk $0xffff, v61  }
0x73: {  	v62 =	vmul.f32 v16, v5;
	[tilespmem:v3+s18+$0x0] =	vst.idx.add.f32.msk $0xffff, v7  }
0x74: {  	v3 =	vmul.f32 v17, v5;
	[tilespmem:v1+s11+$0x0] =	vst.idx.add.f32.msk $0xffff, v0  }
0x75: {  	v7 =	vmul.f32 v19, v5;
	[tilespmem:v1+s12+$0x0] =	vst.idx.add.f32.msk $0xffff, v62  }
0x76: {  	v63 =	vmul.f32 v20, v5;
	[tilespmem:v1+s13+$0x0] =	vst.idx.add.f32.msk $0xffff, v3  }
0x77: {  	v0 =	vshrl.u32 v2, $0x10;
	v2 =	vmul.f32 v21, v5;
	[tilespmem:v1+s14+$0x0] =	vst.idx.add.f32.msk $0xffff, v7  }
0x78: {  	v3 =	vmul.f32 v22, v5;
	[tilespmem:v1+s15+$0x0] =	vst.idx.add.f32.msk $0xffff, v63  }
0x79: {  	v5 =	vmul.f32 v9, v5;
	[tilespmem:v1+s16+$0x0] =	vst.idx.add.f32.msk $0xffff, v2  }
0x7a: {  	v2 =	vmul.f32 v23, v6;
	[tilespmem:v1+s17+$0x0] =	vst.idx.add.f32.msk $0xffff, v3  }
0x7b: {  	v3 =	vmul.f32 v24, v6;
	[tilespmem:v1+s18+$0x0] =	vst.idx.add.f32.msk $0xffff, v5  }
0x7c: {  	v1 =	vmul.f32 v25, v6;
	[tilespmem:v0+s11+$0x0] =	vst.idx.add.f32.msk $0xffff, v2  }
0x7d: {  	v2 =	vmul.f32 v26, v6;
	[tilespmem:v0+s12+$0x0] =	vst.idx.add.f32.msk $0xffff, v3  }
0x7e: {  	v3 =	vmul.f32 v27, v6;
	[tilespmem:v0+s13+$0x0] =	vst.idx.add.f32.msk $0xffff, v1  }
0x7f: {  	v1 =	vmul.f32 v28, v6;
	[tilespmem:v0+s14+$0x0] =	vst.idx.add.f32.msk $0xffff, v2  }
0x80: {  	[tilespmem:v0+s15+$0x0] =	vst.idx.add.f32.msk $0xffff, v3  }
0x81: {  	s5 =	simm.s32 $0x0;
	s8 =	simm.s32 $0x10040;
	v5 =	vmul.f32 v4, v6;
	v4 =	vmul.f32 v60, v6;
	[tilespmem:v0+s16+$0x0] =	vst.idx.add.f32.msk $0xffff, v1  }
.LBB2_3:
0x82: {  	v6 =	vld [tilespmem:s8+$0x30]  }
0x83: {  	v3 =	vld [tilespmem:s8+$0x10]  }
0x84: {  	v7 =	vld [tilespmem:s8+$0x20]  }
0x85: {  	v8 =	vld [tilespmem:s8+$0x0]  }
0x86: {  	v9 =	vld [tilespmem:s8+$0x810]  }
0x87: {  	v2 =	vld [tilespmem:s8+$0x820];
	v10 =	vand.u32 $0xFFFF, v6  }
0x88: {  	s4 =	sadd.s32 $0x40, s4;
	v1 =	vshrl.u32 v3, $0x10;
	v11 =	vand.u32 $0xFFFF, v3;
	[tilespmem:v0+s17+$0x0] =	vst.idx.add.f32.msk $0xffff, v5  }
0x89: {  	s5 =	sadd.s32 $0x4, s5;
	s9 =	sand.u32 $0x7C0, s4;
	v5 =	vand.u32 $0xFFFF, v7;
	[tilespmem:v0+s18+$0x0] =	vst.idx.add.f32.msk $0xffff, v4;
	v0 =	vshrl.u32 v7, $0x10  }
0x8a: {  	p0 =	slt.u32 s5, $0x7C;
	v3 =	vshrl.u32 v8, $0x10;
	v4 =	vld [tilespmem:s9+$0x10800];
	v7 =	vand.u32 $0xFFFF, v8  }
0x8b: {  	v8 =	vld [tilespmem:s8+$0x830]  }
0x8c: {  	v12 =	vld.idx.msk [tilespmem:v10+s3+$0x0], $0xffff  }
0x8d: {  	v13 =	vld.idx.msk [tilespmem:v10+s22+$0x0], $0xffff  }
0x8e: {  	v14 =	vld.idx.msk [tilespmem:v10+s23+$0x0], $0xffff  }
0x8f: {  	v6 =	vshrl.u32 v6, $0x10;
	v15 =	vld.idx.msk [tilespmem:v10+s24+$0x0], $0xffff  }
0x90: {  	v16 =	vld.idx.msk [tilespmem:v10+s25+$0x0], $0xffff  }
0x91: {  	v17 =	vld.idx.msk [tilespmem:v10+s26+$0x0], $0xffff  }
0x92: {  	v12 =	vmul.f32 v12, v8;
	v18 =	vld.idx.msk [tilespmem:v10+s28+$0x0], $0xffff  }
0x93: {  	v13 =	vmul.f32 v13, v8;
	v10 =	vld.idx.msk [tilespmem:v10+s29+$0x0], $0xffff  }
0x94: {  	v14 =	vmul.f32 v14, v8;
	[tilespmem:v6+s11+$0x0] =	vst.idx.add.f32.msk $0xffff, v12  }
0x95: {  	v12 =	vmul.f32 v15, v8;
	[tilespmem:v6+s12+$0x0] =	vst.idx.add.f32.msk $0xffff, v13  }
0x96: {  	v13 =	vmul.f32 v16, v8;
	[tilespmem:v6+s13+$0x0] =	vst.idx.add.f32.msk $0xffff, v14  }
0x97: {  	v14 =	vmul.f32 v17, v8;
	[tilespmem:v6+s14+$0x0] =	vst.idx.add.f32.msk $0xffff, v12  }
0x98: {  	v12 =	vmul.f32 v18, v8;
	[tilespmem:v6+s15+$0x0] =	vst.idx.add.f32.msk $0xffff, v13  }
0x99: {  	v8 =	vmul.f32 v10, v8;
	[tilespmem:v6+s16+$0x0] =	vst.idx.add.f32.msk $0xffff, v14  }
0x9a: {  	[tilespmem:v6+s17+$0x0] =	vst.idx.add.f32.msk $0xffff, v12  }
0x9b: {  	[tilespmem:v6+s18+$0x0] =	vst.idx.add.f32.msk $0xffff, v8  }
0x9c: {  	v6 =	vld.idx.msk [tilespmem:v7+s3+$0x0], $0xffff  }
0x9d: {  	v8 =	vld.idx.msk [tilespmem:v7+s22+$0x0], $0xffff  }
0x9e: {  	v10 =	vld.idx.msk [tilespmem:v7+s23+$0x0], $0xffff  }
0x9f: {  	v12 =	vld.idx.msk [tilespmem:v7+s24+$0x0], $0xffff  }
0xa0: {  	v13 =	vld.idx.msk [tilespmem:v7+s25+$0x0], $0xffff  }
0xa1: {  	v14 =	vld.idx.msk [tilespmem:v7+s26+$0x0], $0xffff  }
0xa2: {  	v6 =	vmul.f32 v6, v4;
	v15 =	vld.idx.msk [tilespmem:v7+s28+$0x0], $0xffff  }
0xa3: {  	v8 =	vmul.f32 v8, v4;
	v7 =	vld.idx.msk [tilespmem:v7+s29+$0x0], $0xffff  }
0xa4: {  	v10 =	vmul.f32 v10, v4;
	v16 =	vld.idx.msk [tilespmem:v11+s3+$0x0], $0xffff  }
0xa5: {  	v12 =	vmul.f32 v12, v4;
	v17 =	vld.idx.msk [tilespmem:v11+s22+$0x0], $0xffff  }
0xa6: {  	v13 =	vmul.f32 v13, v4;
	v18 =	vld.idx.msk [tilespmem:v11+s23+$0x0], $0xffff  }
0xa7: {  	v14 =	vmul.f32 v14, v4;
	v19 =	vld.idx.msk [tilespmem:v11+s24+$0x0], $0xffff  }
0xa8: {  	v15 =	vmul.f32 v15, v4;
	v20 =	vld.idx.msk [tilespmem:v11+s25+$0x0], $0xffff  }
0xa9: {  	v7 =	vmul.f32 v7, v4;
	v4 =	vld.idx.msk [tilespmem:v11+s26+$0x0], $0xffff  }
0xaa: {  	v16 =	vmul.f32 v16, v9;
	v21 =	vld.idx.msk [tilespmem:v11+s28+$0x0], $0xffff  }
0xab: {  	v17 =	vmul.f32 v17, v9;
	v11 =	vld.idx.msk [tilespmem:v11+s29+$0x0], $0xffff  }
0xac: {  	v18 =	vmul.f32 v18, v9;
	v22 =	vld.idx.msk [tilespmem:v5+s3+$0x0], $0xffff  }
0xad: {  	v19 =	vmul.f32 v19, v9;
	v23 =	vld.idx.msk [tilespmem:v5+s22+$0x0], $0xffff  }
0xae: {  	v20 =	vmul.f32 v20, v9;
	v24 =	vld.idx.msk [tilespmem:v5+s23+$0x0], $0xffff  }
0xaf: {  	v25 =	vmul.f32 v4, v9;
	v4 =	vld.idx.msk [tilespmem:v5+s24+$0x0], $0xffff  }
0xb0: {  	v21 =	vmul.f32 v21, v9;
	v26 =	vld.idx.msk [tilespmem:v5+s25+$0x0], $0xffff  }
0xb1: {  	v9 =	vmul.f32 v11, v9;
	v11 =	vld.idx.msk [tilespmem:v5+s26+$0x0], $0xffff  }
0xb2: {  	v22 =	vmul.f32 v22, v2;
	v27 =	vld.idx.msk [tilespmem:v5+s28+$0x0], $0xffff  }
0xb3: {  	v23 =	vmul.f32 v23, v2;
	v28 =	vld.idx.msk [tilespmem:v5+s29+$0x0], $0xffff  }
0xb4: {  	[tilespmem:v3+s11+$0x0] =	vst.idx.add.f32.msk $0xffff, v6;
	v6 =	vmul.f32 v24, v2  }
0xb5: {  	[tilespmem:v3+s12+$0x0] =	vst.idx.add.f32.msk $0xffff, v8;
	v8 =	vmul.f32 v4, v2  }
0xb6: {  	[tilespmem:v3+s13+$0x0] =	vst.idx.add.f32.msk $0xffff, v10;
	v10 =	vmul.f32 v26, v2  }
0xb7: {  	v11 =	vmul.f32 v11, v2;
	[tilespmem:v3+s14+$0x0] =	vst.idx.add.f32.msk $0xffff, v12  }
0xb8: {  	v5 =	vmul.f32 v27, v2;
	[tilespmem:v3+s15+$0x0] =	vst.idx.add.f32.msk $0xffff, v13  }
0xb9: {  	v4 =	vmul.f32 v28, v2;
	[tilespmem:v3+s16+$0x0] =	vst.idx.add.f32.msk $0xffff, v14  }
0xba: {  	[tilespmem:v3+s17+$0x0] =	vst.idx.add.f32.msk $0xffff, v15  }
0xbb: {  	[tilespmem:v3+s18+$0x0] =	vst.idx.add.f32.msk $0xffff, v7  }
0xbc: {  	[tilespmem:v1+s11+$0x0] =	vst.idx.add.f32.msk $0xffff, v16  }
0xbd: {  	[tilespmem:v1+s12+$0x0] =	vst.idx.add.f32.msk $0xffff, v17  }
0xbe: {  	[tilespmem:v1+s13+$0x0] =	vst.idx.add.f32.msk $0xffff, v18  }
0xbf: {  	[tilespmem:v1+s14+$0x0] =	vst.idx.add.f32.msk $0xffff, v19  }
0xc0: {  	[tilespmem:v1+s15+$0x0] =	vst.idx.add.f32.msk $0xffff, v20  }
0xc1: {  	[tilespmem:v1+s16+$0x0] =	vst.idx.add.f32.msk $0xffff, v25  }
0xc2: {  	[tilespmem:v1+s17+$0x0] =	vst.idx.add.f32.msk $0xffff, v21  }
0xc3: {  	[tilespmem:v1+s18+$0x0] =	vst.idx.add.f32.msk $0xffff, v9  }
0xc4: {  	[tilespmem:v0+s11+$0x0] =	vst.idx.add.f32.msk $0xffff, v22  }
.Ltmp0:
0xc5: {  	[tilespmem:v0+s12+$0x0] =	vst.idx.add.f32.msk $0xffff, v23;
	(pc) =	sbr.rel @p0 .LBB2_3-.Ltmp0, $4  }
0xc6: {  	[tilespmem:v0+s13+$0x0] =	vst.idx.add.f32.msk $0xffff, v6  }
0xc7: {  	[tilespmem:v0+s14+$0x0] =	vst.idx.add.f32.msk $0xffff, v8  }
0xc8: {  	[tilespmem:v0+s15+$0x0] =	vst.idx.add.f32.msk $0xffff, v10  }
0xc9: {  	s8 =	sadd.s32 $0x40, s8;
	[tilespmem:v0+s16+$0x0] =	vst.idx.add.f32.msk $0xffff, v11  }
0xca: {  	_ =	sdelay $0x3  }
0xcb: {  	[tilespmem:v0+s17+$0x0] =	vst.idx.add.f32.msk $0xffff, v5  }
0xcc: {  	[tilespmem:v0+s18+$0x0] =	vst.idx.add.f32.msk $0xffff, v4  }
0xcd: {  	_ =	swait.ge [sflag:s30], $0x1000  }
0xce: {  	s4 =	sadd.s32 s1, s7;
	[sflag:s30] =	ssyncset.done $0x0  }
0xcf: {  	s1 =	simm.s32 $0x0;
	s9 =	simm.s32 $0x11000;
	[sflag:s30] =	ssyncadd.s32 $0xFFFFF000  }
0xd0: {  	[tilespmem:s19], [sflag:$0x1] =	stream.linear.gather [hbm4b:s4+s1], $0x1000, $0x38;
	[tilespmem:$0x12000] =	vst v63  }
0xd1: {  	v0 =	vld [tilespmem:s9+$0x30];
	_ =	sdelay $0x2  }
0xd2: {  	v1 =	vld [tilespmem:s9+$0x10]  }
0xd3: {  	v2 =	vld [tilespmem:s9+$0x20]  }
0xd4: {  	v3 =	vld [tilespmem:s9+$0x0];
	v4 =	vand.u32 $0xFFFF, v0  }
0xd5: {  	v5 =	vld [tilespmem:s9+$0x810]  }
0xd6: {  	s5 =	sand.u32 $0x7C0, s1;
	v6 =	vld [tilespmem:s9+$0x820]  }
0xd7: {  	v7 =	vld [tilespmem:s5+$0x11800]  }
0xd8: {  	v8 =	vld [tilespmem:s9+$0x830]  }
0xd9: {  	v9 =	vld.idx.msk [tilespmem:v4+s3+$0x0], $0xffff  }
0xda: {  	v10 =	vld.idx.msk [tilespmem:v4+s22+$0x0], $0xffff  }
0xdb: {  	v11 =	vld.idx.msk [tilespmem:v4+s23+$0x0], $0xffff  }
0xdc: {  	v49 =	vand.u32 $0xFFFF, v3;
	v12 =	vld.idx.msk [tilespmem:v4+s24+$0x0], $0xffff  }
0xdd: {  	v13 =	vld.idx.msk [tilespmem:v4+s25+$0x0], $0xffff  }
0xde: {  	v14 =	vld.idx.msk [tilespmem:v4+s26+$0x0], $0xffff  }
0xdf: {  	v15 =	vld.idx.msk [tilespmem:v4+s28+$0x0], $0xffff  }
0xe0: {  	v4 =	vld.idx.msk [tilespmem:v4+s29+$0x0], $0xffff  }
0xe1: {  	v53 =	vand.u32 $0xFFFF, v1;
	v52 =	vld.idx.msk [tilespmem:v49+s23+$0x0], $0xffff  }
0xe2: {  	v54 =	vld.idx.msk [tilespmem:v49+s24+$0x0], $0xffff  }
0xe3: {  	v55 =	vld.idx.msk [tilespmem:v49+s25+$0x0], $0xffff  }
0xe4: {  	v56 =	vld.idx.msk [tilespmem:v49+s26+$0x0], $0xffff  }
0xe5: {  	v57 =	vld.idx.msk [tilespmem:v49+s28+$0x0], $0xffff  }
0xe6: {  	v58 =	vld.idx.msk [tilespmem:v53+s3+$0x0], $0xffff  }
0xe7: {  	v16 =	vld.idx.msk [tilespmem:v53+s22+$0x0], $0xffff  }
0xe8: {  	v18 =	vand.u32 $0xFFFF, v2;
	v17 =	vld.idx.msk [tilespmem:v53+s23+$0x0], $0xffff  }
0xe9: {  	v19 =	vld.idx.msk [tilespmem:v53+s24+$0x0], $0xffff  }
0xea: {  	v20 =	vld.idx.msk [tilespmem:v53+s25+$0x0], $0xffff  }
0xeb: {  	v21 =	vld.idx.msk [tilespmem:v53+s26+$0x0], $0xffff  }
0xec: {  	v0 =	vshrl.u32 v0, $0x10;
	v22 =	vld.idx.msk [tilespmem:v53+s28+$0x0], $0xffff  }
0xed: {  	v23 =	vld.idx.msk [tilespmem:v18+s3+$0x0], $0xffff  }
0xee: {  	v24 =	vld.idx.msk [tilespmem:v18+s22+$0x0], $0xffff  }
0xef: {  	v25 =	vld.idx.msk [tilespmem:v18+s23+$0x0], $0xffff;
	v9 =	vmul.f32 v9, v8  }
0xf0: {  	v26 =	vld.idx.msk [tilespmem:v18+s24+$0x0], $0xffff;
	v10 =	vmul.f32 v10, v8  }
0xf1: {  	v11 =	vmul.f32 v11, v8;
	[tilespmem:v0+s11+$0x0] =	vst.idx.add.f32.msk $0xffff, v9  }
0xf2: {  	v47 =	vmul.f32 v12, v8;
	[tilespmem:v0+s12+$0x0] =	vst.idx.add.f32.msk $0xffff, v10  }
0xf3: {  	v48 =	vmul.f32 v13, v8;
	[tilespmem:v0+s13+$0x0] =	vst.idx.add.f32.msk $0xffff, v11  }
0xf4: {  	v50 =	vmul.f32 v14, v8;
	[tilespmem:v0+s14+$0x0] =	vst.idx.add.f32.msk $0xffff, v47  }
0xf5: {  	v51 =	vmul.f32 v15, v8;
	[tilespmem:v0+s15+$0x0] =	vst.idx.add.f32.msk $0xffff, v48  }
0xf6: {  	v4 =	vmul.f32 v4, v8;
	[tilespmem:v0+s16+$0x0] =	vst.idx.add.f32.msk $0xffff, v50  }
0xf7: {  	[tilespmem:v0+s17+$0x0] =	vst.idx.add.f32.msk $0xffff, v51  }
0xf8: {  	[tilespmem:v0+s18+$0x0] =	vst.idx.add.f32.msk $0xffff, v4  }
0xf9: {  	v0 =	vld.idx.msk [tilespmem:v49+s3+$0x0], $0xffff  }
0xfa: {  	v4 =	vld.idx.msk [tilespmem:v49+s22+$0x0], $0xffff  }
0xfb: {  	v3 =	vshrl.u32 v3, $0x10;
	v27 =	vld.idx.msk [tilespmem:v18+s25+$0x0], $0xffff  }
0xfc: {  	v28 =	vld.idx.msk [tilespmem:v18+s26+$0x0], $0xffff  }
0xfd: {  	v60 =	vld.idx.msk [tilespmem:v18+s29+$0x0], $0xffff  }
0xfe: {  	v9 =	vld.idx.msk [tilespmem:v53+s29+$0x0], $0xffff;
	v0 =	vmul.f32 v0, v7  }
0xff: {  	v11 =	vld.idx.msk [tilespmem:v49+s29+$0x0], $0xffff;
	v4 =	vmul.f32 v4, v7  }
0x100: {  	[tilespmem:v3+s11+$0x0] =	vst.idx.add.f32.msk $0xffff, v0  }
0x101: {  	v0 =	vmul.f32 v52, v7;
	[tilespmem:v3+s12+$0x0] =	vst.idx.add.f32.msk $0xffff, v4  }
0x102: {  	v59 =	vmul.f32 v54, v7;
	v4 =	vld.idx.msk [tilespmem:v18+s28+$0x0], $0xffff  }
0x103: {  	v12 =	vmul.f32 v55, v7;
	[tilespmem:v3+s13+$0x0] =	vst.idx.add.f32.msk $0xffff, v0  }
0x104: {  	v1 =	vshrl.u32 v1, $0x10;
	v0 =	vmul.f32 v56, v7;
	[tilespmem:v3+s14+$0x0] =	vst.idx.add.f32.msk $0xffff, v59  }
0x105: {  	v61 =	vmul.f32 v57, v7;
	[tilespmem:v3+s15+$0x0] =	vst.idx.add.f32.msk $0xffff, v12  }
0x106: {  	v7 =	vmul.f32 v11, v7;
	[tilespmem:v3+s16+$0x0] =	vst.idx.add.f32.msk $0xffff, v0  }
0x107: {  	v0 =	vmul.f32 v58, v5;
	[tilespmem:v3+s17+$0x0] =	vst.idx.add.f32.msk $0xffff, v61  }
0x108: {  	v62 =	vmul.f32 v16, v5;
	[tilespmem:v3+s18+$0x0] =	vst.idx.add.f32.msk $0xffff, v7  }
0x109: {  	v3 =	vmul.f32 v17, v5;
	[tilespmem:v1+s11+$0x0] =	vst.idx.add.f32.msk $0xffff, v0  }
0x10a: {  	v7 =	vmul.f32 v19, v5;
	[tilespmem:v1+s12+$0x0] =	vst.idx.add.f32.msk $0xffff, v62  }
0x10b: {  	v63 =	vmul.f32 v20, v5;
	[tilespmem:v1+s13+$0x0] =	vst.idx.add.f32.msk $0xffff, v3  }
0x10c: {  	v0 =	vshrl.u32 v2, $0x10;
	v2 =	vmul.f32 v21, v5;
	[tilespmem:v1+s14+$0x0] =	vst.idx.add.f32.msk $0xffff, v7  }
0x10d: {  	v3 =	vmul.f32 v22, v5;
	[tilespmem:v1+s15+$0x0] =	vst.idx.add.f32.msk $0xffff, v63  }
0x10e: {  	v5 =	vmul.f32 v9, v5;
	[tilespmem:v1+s16+$0x0] =	vst.idx.add.f32.msk $0xffff, v2  }
0x10f: {  	v2 =	vmul.f32 v23, v6;
	[tilespmem:v1+s17+$0x0] =	vst.idx.add.f32.msk $0xffff, v3  }
0x110: {  	v3 =	vmul.f32 v24, v6;
	[tilespmem:v1+s18+$0x0] =	vst.idx.add.f32.msk $0xffff, v5  }
0x111: {  	v1 =	vmul.f32 v25, v6;
	[tilespmem:v0+s11+$0x0] =	vst.idx.add.f32.msk $0xffff, v2  }
0x112: {  	v2 =	vmul.f32 v26, v6;
	[tilespmem:v0+s12+$0x0] =	vst.idx.add.f32.msk $0xffff, v3  }
0x113: {  	v3 =	vmul.f32 v27, v6;
	[tilespmem:v0+s13+$0x0] =	vst.idx.add.f32.msk $0xffff, v1  }
0x114: {  	v1 =	vmul.f32 v28, v6;
	[tilespmem:v0+s14+$0x0] =	vst.idx.add.f32.msk $0xffff, v2  }
0x115: {  	[tilespmem:v0+s15+$0x0] =	vst.idx.add.f32.msk $0xffff, v3  }
0x116: {  	s4 =	simm.s32 $0x0;
	s5 =	simm.s32 $0x11040;
	v5 =	vmul.f32 v4, v6;
	v4 =	vmul.f32 v60, v6;
	[tilespmem:v0+s16+$0x0] =	vst.idx.add.f32.msk $0xffff, v1  }
.LBB2_5:
0x117: {  	v6 =	vld [tilespmem:s5+$0x30]  }
0x118: {  	v3 =	vld [tilespmem:s5+$0x10]  }
0x119: {  	v7 =	vld [tilespmem:s5+$0x20]  }
0x11a: {  	v8 =	vld [tilespmem:s5+$0x0]  }
0x11b: {  	v9 =	vld [tilespmem:s5+$0x810]  }
0x11c: {  	v2 =	vld [tilespmem:s5+$0x820];
	v10 =	vand.u32 $0xFFFF, v6  }
0x11d: {  	s1 =	sadd.s32 $0x40, s1;
	v1 =	vshrl.u32 v3, $0x10;
	v11 =	vand.u32 $0xFFFF, v3;
	[tilespmem:v0+s17+$0x0] =	vst.idx.add.f32.msk $0xffff, v5  }
0x11e: {  	s4 =	sadd.s32 $0x4, s4;
	s8 =	sand.u32 $0x7C0, s1;
	v5 =	vand.u32 $0xFFFF, v7;
	[tilespmem:v0+s18+$0x0] =	vst.idx.add.f32.msk $0xffff, v4;
	v0 =	vshrl.u32 v7, $0x10  }
0x11f: {  	p0 =	slt.u32 s4, $0x7C;
	v3 =	vshrl.u32 v8, $0x10;
	v4 =	vld [tilespmem:s8+$0x11800];
	v7 =	vand.u32 $0xFFFF, v8  }
0x120: {  	v8 =	vld [tilespmem:s5+$0x830]  }
0x121: {  	v12 =	vld.idx.msk [tilespmem:v10+s3+$0x0], $0xffff  }
0x122: {  	v13 =	vld.idx.msk [tilespmem:v10+s22+$0x0], $0xffff  }
0x123: {  	v14 =	vld.idx.msk [tilespmem:v10+s23+$0x0], $0xffff  }
0x124: {  	v6 =	vshrl.u32 v6, $0x10;
	v15 =	vld.idx.msk [tilespmem:v10+s24+$0x0], $0xffff  }
0x125: {  	v16 =	vld.idx.msk [tilespmem:v10+s25+$0x0], $0xffff  }
0x126: {  	v17 =	vld.idx.msk [tilespmem:v10+s26+$0x0], $0xffff  }
0x127: {  	v12 =	vmul.f32 v12, v8;
	v18 =	vld.idx.msk [tilespmem:v10+s28+$0x0], $0xffff  }
0x128: {  	v13 =	vmul.f32 v13, v8;
	v10 =	vld.idx.msk [tilespmem:v10+s29+$0x0], $0xffff  }
0x129: {  	v14 =	vmul.f32 v14, v8;
	[tilespmem:v6+s11+$0x0] =	vst.idx.add.f32.msk $0xffff, v12  }
0x12a: {  	v12 =	vmul.f32 v15, v8;
	[tilespmem:v6+s12+$0x0] =	vst.idx.add.f32.msk $0xffff, v13  }
0x12b: {  	v13 =	vmul.f32 v16, v8;
	[tilespmem:v6+s13+$0x0] =	vst.idx.add.f32.msk $0xffff, v14  }
0x12c: {  	v14 =	vmul.f32 v17, v8;
	[tilespmem:v6+s14+$0x0] =	vst.idx.add.f32.msk $0xffff, v12  }
0x12d: {  	v12 =	vmul.f32 v18, v8;
	[tilespmem:v6+s15+$0x0] =	vst.idx.add.f32.msk $0xffff, v13  }
0x12e: {  	v8 =	vmul.f32 v10, v8;
	[tilespmem:v6+s16+$0x0] =	vst.idx.add.f32.msk $0xffff, v14  }
0x12f: {  	[tilespmem:v6+s17+$0x0] =	vst.idx.add.f32.msk $0xffff, v12  }
0x130: {  	[tilespmem:v6+s18+$0x0] =	vst.idx.add.f32.msk $0xffff, v8  }
0x131: {  	v6 =	vld.idx.msk [tilespmem:v7+s3+$0x0], $0xffff  }
0x132: {  	v8 =	vld.idx.msk [tilespmem:v7+s22+$0x0], $0xffff  }
0x133: {  	v10 =	vld.idx.msk [tilespmem:v7+s23+$0x0], $0xffff  }
0x134: {  	v12 =	vld.idx.msk [tilespmem:v7+s24+$0x0], $0xffff  }
0x135: {  	v13 =	vld.idx.msk [tilespmem:v7+s25+$0x0], $0xffff  }
0x136: {  	v14 =	vld.idx.msk [tilespmem:v7+s26+$0x0], $0xffff  }
0x137: {  	v6 =	vmul.f32 v6, v4;
	v15 =	vld.idx.msk [tilespmem:v7+s28+$0x0], $0xffff  }
0x138: {  	v8 =	vmul.f32 v8, v4;
	v7 =	vld.idx.msk [tilespmem:v7+s29+$0x0], $0xffff  }
0x139: {  	v10 =	vmul.f32 v10, v4;
	v16 =	vld.idx.msk [tilespmem:v11+s3+$0x0], $0xffff  }
0x13a: {  	v12 =	vmul.f32 v12, v4;
	v17 =	vld.idx.msk [tilespmem:v11+s22+$0x0], $0xffff  }
0x13b: {  	v13 =	vmul.f32 v13, v4;
	v18 =	vld.idx.msk [tilespmem:v11+s23+$0x0], $0xffff  }
0x13c: {  	v14 =	vmul.f32 v14, v4;
	v19 =	vld.idx.msk [tilespmem:v11+s24+$0x0], $0xffff  }
0x13d: {  	v15 =	vmul.f32 v15, v4;
	v20 =	vld.idx.msk [tilespmem:v11+s25+$0x0], $0xffff  }
0x13e: {  	v7 =	vmul.f32 v7, v4;
	v4 =	vld.idx.msk [tilespmem:v11+s26+$0x0], $0xffff  }
0x13f: {  	v16 =	vmul.f32 v16, v9;
	v21 =	vld.idx.msk [tilespmem:v11+s28+$0x0], $0xffff  }
0x140: {  	v17 =	vmul.f32 v17, v9;
	v11 =	vld.idx.msk [tilespmem:v11+s29+$0x0], $0xffff  }
0x141: {  	v18 =	vmul.f32 v18, v9;
	v22 =	vld.idx.msk [tilespmem:v5+s3+$0x0], $0xffff  }
0x142: {  	v19 =	vmul.f32 v19, v9;
	v23 =	vld.idx.msk [tilespmem:v5+s22+$0x0], $0xffff  }
0x143: {  	v20 =	vmul.f32 v20, v9;
	v24 =	vld.idx.msk [tilespmem:v5+s23+$0x0], $0xffff  }
0x144: {  	v25 =	vmul.f32 v4, v9;
	v4 =	vld.idx.msk [tilespmem:v5+s24+$0x0], $0xffff  }
0x145: {  	v21 =	vmul.f32 v21, v9;
	v26 =	vld.idx.msk [tilespmem:v5+s25+$0x0], $0xffff  }
0x146: {  	v9 =	vmul.f32 v11, v9;
	v11 =	vld.idx.msk [tilespmem:v5+s26+$0x0], $0xffff  }
0x147: {  	v22 =	vmul.f32 v22, v2;
	v27 =	vld.idx.msk [tilespmem:v5+s28+$0x0], $0xffff  }
0x148: {  	v23 =	vmul.f32 v23, v2;
	v28 =	vld.idx.msk [tilespmem:v5+s29+$0x0], $0xffff  }
0x149: {  	[tilespmem:v3+s11+$0x0] =	vst.idx.add.f32.msk $0xffff, v6;
	v6 =	vmul.f32 v24, v2  }
0x14a: {  	[tilespmem:v3+s12+$0x0] =	vst.idx.add.f32.msk $0xffff, v8;
	v8 =	vmul.f32 v4, v2  }
0x14b: {  	[tilespmem:v3+s13+$0x0] =	vst.idx.add.f32.msk $0xffff, v10;
	v10 =	vmul.f32 v26, v2  }
0x14c: {  	v11 =	vmul.f32 v11, v2;
	[tilespmem:v3+s14+$0x0] =	vst.idx.add.f32.msk $0xffff, v12  }
0x14d: {  	v5 =	vmul.f32 v27, v2;
	[tilespmem:v3+s15+$0x0] =	vst.idx.add.f32.msk $0xffff, v13  }
0x14e: {  	v4 =	vmul.f32 v28, v2;
	[tilespmem:v3+s16+$0x0] =	vst.idx.add.f32.msk $0xffff, v14  }
0x14f: {  	[tilespmem:v3+s17+$0x0] =	vst.idx.add.f32.msk $0xffff, v15  }
0x150: {  	[tilespmem:v3+s18+$0x0] =	vst.idx.add.f32.msk $0xffff, v7  }
0x151: {  	[tilespmem:v1+s11+$0x0] =	vst.idx.add.f32.msk $0xffff, v16  }
0x152: {  	[tilespmem:v1+s12+$0x0] =	vst.idx.add.f32.msk $0xffff, v17  }
0x153: {  	[tilespmem:v1+s13+$0x0] =	vst.idx.add.f32.msk $0xffff, v18  }
0x154: {  	[tilespmem:v1+s14+$0x0] =	vst.idx.add.f32.msk $0xffff, v19  }
0x155: {  	[tilespmem:v1+s15+$0x0] =	vst.idx.add.f32.msk $0xffff, v20  }
0x156: {  	[tilespmem:v1+s16+$0x0] =	vst.idx.add.f32.msk $0xffff, v25  }
0x157: {  	[tilespmem:v1+s17+$0x0] =	vst.idx.add.f32.msk $0xffff, v21  }
0x158: {  	[tilespmem:v1+s18+$0x0] =	vst.idx.add.f32.msk $0xffff, v9  }
0x159: {  	[tilespmem:v0+s11+$0x0] =	vst.idx.add.f32.msk $0xffff, v22  }
.Ltmp1:
0x15a: {  	[tilespmem:v0+s12+$0x0] =	vst.idx.add.f32.msk $0xffff, v23;
	(pc) =	sbr.rel @p0 .LBB2_5-.Ltmp1, $4  }
0x15b: {  	[tilespmem:v0+s13+$0x0] =	vst.idx.add.f32.msk $0xffff, v6  }
0x15c: {  	[tilespmem:v0+s14+$0x0] =	vst.idx.add.f32.msk $0xffff, v8  }
0x15d: {  	[tilespmem:v0+s15+$0x0] =	vst.idx.add.f32.msk $0xffff, v10  }
0x15e: {  	s5 =	sadd.s32 $0x40, s5;
	[tilespmem:v0+s16+$0x0] =	vst.idx.add.f32.msk $0xffff, v11  }
0x15f: {  	s0 =	sadd.s32 $0x1, s0  }
0x160: {  	p0 =	sne.s32 s0, $0x29  }
.Ltmp2:
0x161: {  	_ = 	snop;
	(pc) =	sbr.rel @p0 .LBB2_2-.Ltmp2, $3  }
0x162: {  	_ =	sdelay $0x1  }
0x163: {  	[tilespmem:v0+s17+$0x0] =	vst.idx.add.f32.msk $0xffff, v5  }
0x164: {  	[tilespmem:v0+s18+$0x0] =	vst.idx.add.f32.msk $0xffff, v4  }
0x165: {  	_ =	swait.ge [sflag:s20], $0x1000  }
0x166: {  	[sflag:s20] =	ssyncset.done $0x0  }
0x167: {  	s0 =	rddreg [dreg:$0x6];
	[sflag:s20] =	ssyncadd.s32 $0xFFFFF000  }
0x168: {  	[hbm4b:s0+s3] =	stream.linear.scatter [tilespmem:s11], [sflag:$0x3], $0x8000, $0x38;
	[tilespmem:$0x12000] =	vst v63  }
0x169: {  	_ =	swait.ge [sflag:s10], $0x8000  }
0x16a: {  	s31 =	sadd.s32 $0x1, s31;
	s9 =	rddreg [dreg:$0x7]  }
0x16b: {  	p0 =	sne.s32 s31, s9  }
.Ltmp3:
0x16c: {  	_ = 	snop;
	(pc) =	sbr.rel @p0 .LBB2_1-.Ltmp3, $3  }
0x16d: {  	_ =	sdelay $0x1  }
0x16e: {  	[sflag:s10] =	ssyncset.done $0x0  }
0x16f: {  	[sflag:s10] =	ssyncadd.s32 $0xFFFF8000  }
0x170: {  	_ =	sfence.sel $0x180000  }
0x171: {  	[bflag:$0x0] =	sbarrier.arrive $0xFFFF  }
0x172: {  	_ =	strace $0x90000047  }
0x173: {  	s0 =	stileid.u32;
	[bflag:$0x2] =	sbarrier.arrive $0xFFFF  }
0x174: {  	p0 =	sne.s32 s0, $0x0;
	s0 =	rddreg [dreg:$0x3]  }
0x175: {  	s0 =	sadd.s32 @!p0 $0x100000, s0  }
0x176: {  	[sflag:s0] =	ssyncadd.tile.s32 @!p0 $0x1;
	_ =	shalt  }
.Lfunc_end2:
_tile_overlayer_lowered:
.L_overlay_start_2:
0x177: {  	(tag) =	ssettag $0x2  }
0x178: {  	s0 =	rddreg [dreg:$0x0];
	s2 =	stileid.u32  }
0x179: {  	s1 =	rddreg [dreg:$0x1];
	p0 =	sne.s32 s2, $0x0  }
0x17a: {  	s3 =	rddreg [dreg:$0x2];
	[bflag:$0x3] =	sbarrier.arrive $0xFFFF;
	s2 =	simm.s32 @!p0 $0x1C03  }
0x17b: {  	[timem:s3], [sflag:s2] =	dma.local @!p0 [hbm:s0], s1  }
0x17c: {  	s0 =	simm.s32 @!p0 $0x3  }
0x17d: {  	_ =	swait.ge @!p0 [sflag:s0], s1  }
0x17e: {  	s1 =	ssub.s32 @!p0 $0x0, s1;
	[sflag:s0] =	ssyncset.done @!p0 $0x0  }
0x17f: {  	[sflag:s0] =	ssyncadd.s32 @!p0 s1  }
0x180: {  	[bflag:$0x3] =	sbarrier.arrive $0xFFFF  }
0x181: {  	_ =	shalt  }

</sc_bundles>
